<compile_context>
chip_gen: v7x
topology: tpu7x:2x2x1
jax: 0.10.2.dev20260603
libtpu: 0.0.44.dev20260713+nightly
codegen_flags: <defaults>
</compile_context>

<pallas_src>
import functools

import jax
import jax.numpy as jnp
from jax import lax
from jax.experimental import pallas as pl
from jax.experimental.pallas import tpu as pltpu
from jax.experimental.pallas import tpu_sc as plsc

N = 8192
N_SMALL = 4096
D = 256


def _make_unpool():
  try:
    info = plsc.get_sparse_core_info()
    nc, ns, lanes = info.num_cores, info.num_subcores, info.num_lanes
  except Exception:
    nc, ns, lanes = 2, 16, 16
  nw = nc * ns
  rpw = N // nw
  chunks = N_SMALL // lanes
  gsz = 128
  ng = rpw // gsz

  mesh = plsc.VectorSubcoreMesh(core_axis_name="c", subcore_axis_name="s")

  @functools.partial(
      pl.kernel,
      out_type=jax.ShapeDtypeStruct((N, D), jnp.float32),
      mesh=mesh,
      scratch_types=[
          pltpu.VMEM((N_SMALL,), jnp.int32),
          pltpu.VMEM((ng, gsz), jnp.int32),
          pltpu.VMEM((ng, gsz), jnp.float32),
          pltpu.VMEM((rpw, D), jnp.float32),
          pltpu.SemaphoreType.DMA,
      ],
      compiler_params=pltpu.CompilerParams(needs_layout_passes=False),
  )
  def unpool(x_hbm, idx_hbm, out_hbm, idx_v, win_v, val_v, rows_v, sem):
    wid = lax.axis_index("s") * nc + lax.axis_index("c")
    base = wid * rpw
    pltpu.sync_copy(idx_hbm, idx_v)
    lane_iota = lax.iota(jnp.int32, lanes)
    zero_f = jnp.zeros((lanes,), jnp.float32)
    one_f = jnp.ones((lanes,), jnp.float32)
    for g in range(ng):
      for c in range(gsz // lanes):
        off = g * gsz + c * lanes
        win_v[g, pl.ds(c * lanes, lanes)] = (off + lane_iota) * (N_SMALL // rpw)
        val_v[g, pl.ds(c * lanes, lanes)] = zero_f
    rot_keys = (lane_iota + lanes - 1) & (lanes - 1)

    def body(j, carry):
      off16 = pl.multiple_of(j * lanes, lanes)
      v = idx_v[pl.ds(off16, lanes)]
      key = v * N_SMALL + (off16 + lane_iota)
      sk = lax.sort(key)
      _, rot = plsc.sort_key_val(rot_keys, sk)
      srow = sk >> 12
      winner = (srow != (rot >> 12)) | (lane_iota == lanes - 1)
      mask = winner & (srow >= base) & (srow < base + rpw)
      off = jnp.clip(srow - base, 0, rpw - 1)
      r0, c0 = off >> 7, off & (gsz - 1)
      plsc.store_scatter(win_v, [r0, c0], sk & (N_SMALL - 1), mask=mask)
      plsc.store_scatter(val_v, [r0, c0], one_f, mask=mask)
      return carry

    lax.fori_loop(0, chunks, body, None)

    copies = [
        pltpu.async_copy(
            x_hbm.at[win_v.at[g]], rows_v.at[pl.ds(g * gsz, gsz)], sem)
        for g in range(ng)
    ]
    for cp in copies:
      cp.wait()

    def zero_body(r, carry):
      mv = plsc.load_gather(
          val_v, [jnp.full((lanes,), r >> 7, jnp.int32),
                  jnp.full((lanes,), r & (gsz - 1), jnp.int32)])
      for cc in range(D // lanes):
        rows_v[r, pl.ds(cc * lanes, lanes)] = (
            rows_v[r, pl.ds(cc * lanes, lanes)] * mv)
      return carry

    lax.fori_loop(0, rpw, zero_body, None)

    pltpu.sync_copy(rows_v, out_hbm.at[pl.ds(base, rpw)])

  return unpool


def _make_copy(block_rows=256):

  def body(a_ref, o_ref):
    o_ref[...] = a_ref[...]

  return pl.pallas_call(
      body,
      out_shape=jax.ShapeDtypeStruct((N, N), jnp.float32),
      grid=(N // block_rows,),
      in_specs=[pl.BlockSpec((block_rows, N), lambda i: (i, 0))],
      out_specs=pl.BlockSpec((block_rows, N), lambda i: (i, 0)),
  )


def kernel(A, X, idx):
  new_x = _make_unpool()(X, idx.astype(jnp.int32))
  return (_make_copy()(A), new_x)

# --- scband reference (transcript-rebuilt; emitter-appended) ---
"""Pipeline reference for scband-graph-unpool-79044578116324 (READ-ONLY COPY).

The authoritative reference and input builder live on the scoring server;
editing this copy changes nothing except your own understanding.
"""

import jax, jax.numpy as jnp
import numpy as np

N = 8192
N_SMALL = 4096
D = 256


def setup_inputs(seed: int = 0) -> dict:
    key = jax.random.key(seed)
    kA, kX, kI = jax.random.split(key, 3)
    A = jax.random.normal(kA, (N, N), dtype=jnp.float32)
    X = jax.random.normal(kX, (N_SMALL, D), dtype=jnp.float32)
    idx = jax.random.randint(kI, (N_SMALL,), 0, N, dtype=jnp.int64)
    return {"A": A, "X": X, "idx": idx}


def reference(A, X, idx):
    # new_X = zeros([A.shape[0], X.shape[1]]); new_X[idx] = X
    new_X = jnp.zeros((A.shape[0], X.shape[1]), dtype=X.dtype)
    new_X = new_X.at[idx].set(X)
    return (A, new_X)

if __name__ == "__main__":
    import jax
    _d = setup_inputs()
    print(jax.jit(kernel)(*tuple(_d.values())))

</pallas_src>

<mosaic_0001>
#map = affine_map<(d0, d1) -> (0, 0)>
#map1 = affine_map<(d0, d1) -> (0)>
module attributes {stable_mosaic.version = 14 : i64} {
  func.func @unpool(%arg0: i32, %arg1: i32, %arg2: memref<4096x256xf32, #tpu.memory_space<hbm>>, %arg3: memref<4096xi32, #tpu.memory_space<hbm>>, %arg4: memref<8192x256xf32, #tpu.memory_space<hbm>>, %arg5: memref<4096xi32, #tpu.memory_space<vmem>>, %arg6: memref<2x128xi32, #tpu.memory_space<vmem>>, %arg7: memref<2x128xf32, #tpu.memory_space<vmem>>, %arg8: memref<256x256xf32, #tpu.memory_space<vmem>>, %arg9: memref<!tpu.dma_semaphore, #tpu.memory_space<semaphore_mem>>) attributes {dimension_semantics = [#tpu.dimension_semantics<core_parallel>, #tpu.dimension_semantics<subcore_parallel>], iteration_bounds = array<i64: 2, 16>, scalar_prefetch = 0 : i64, scratch_operands = 5 : i64, tpu.core_type = #tpu.core_type<sc_vector_subcore>, window_params = [{transform_indices = #map}, {transform_indices = #map1}, {transform_indices = #map}]} {
    %mul3A = arith.constant 2 : i32
    %mul3A_0 = arith.muli %arg1, %mul3A : i32
    %add3A = arith.addi %mul3A_0, %arg0 : i32
    %mul3A_1 = arith.constant 256 : i32
    %mul3A_2 = arith.muli %add3A, %mul3A_1 : i32
    "tpu.region"() ({
      %run_scoped3A = tpu.sem_alloc : memref<!tpu.dma_semaphore, #tpu.memory_space<semaphore_mem>>
      tpu.enqueue_dma source(%arg3 : memref<4096xi32, #tpu.memory_space<hbm>>) target(%arg5 : memref<4096xi32, #tpu.memory_space<vmem>>) target_semaphore(%run_scoped3A : memref<!tpu.dma_semaphore, #tpu.memory_space<semaphore_mem>>)
      tpu.wait_dma2 semaphore(%run_scoped3A : memref<!tpu.dma_semaphore, #tpu.memory_space<semaphore_mem>>) src(%arg3 : memref<4096xi32, #tpu.memory_space<hbm>>) dst(%arg5 : memref<4096xi32, #tpu.memory_space<vmem>>)
      tpu.yield
    }) : () -> ()
    %iota3A = tpu.iota {dimensions = array<i32: 0>} : vector<16xi32>
    %broadcast_in_dim3A = arith.constant 0.000000e+00 : f32
    %broadcast_in_dim3A_3 = vector.broadcast %broadcast_in_dim3A : f32 to vector<16xf32>
    %broadcast_in_dim3A_4 = arith.constant 1.000000e+00 : f32
    %broadcast_in_dim3A_5 = vector.broadcast %broadcast_in_dim3A_4 : f32 to vector<16xf32>
    %add3A_6 = arith.constant 0 : i32
    %add3A_7 = vector.broadcast %add3A_6 : i32 to vector<16xi32>
    %add3A_8 = arith.addi %add3A_7, %iota3A : vector<16xi32>
    %mul3A_9 = arith.constant 16 : i32
    %mul3A_10 = vector.broadcast %mul3A_9 : i32 to vector<16xi32>
    %mul3A_11 = arith.muli %add3A_8, %mul3A_10 : vector<16xi32>
    %swap3A = arith.constant 0 : i32
    %swap3A_12 = arith.index_cast %swap3A : i32 to index
    %swap3A_13 = arith.constant 0 : index
    %swap3A_14 = tpu.vector_load %arg6[%swap3A_12, %swap3A_13] {strides = array<i32>} : memref<2x128xi32, #tpu.memory_space<vmem>>, vector<16xi32>,
    tpu.vector_store %arg6[%swap3A_12, %swap3A_13], %mul3A_11 {strides = array<i32>} : memref<2x128xi32, #tpu.memory_space<vmem>>, vector<16xi32>,
    %swap3A_15 = arith.constant 0 : i32
    %swap3A_16 = arith.index_cast %swap3A_15 : i32 to index
    %swap3A_17 = arith.constant 0 : index
    %swap3A_18 = tpu.vector_load %arg7[%swap3A_16, %swap3A_17] {strides = array<i32>} : memref<2x128xf32, #tpu.memory_space<vmem>>, vector<16xf32>,
    tpu.vector_store %arg7[%swap3A_16, %swap3A_17], %broadcast_in_dim3A_3 {strides = array<i32>} : memref<2x128xf32, #tpu.memory_space<vmem>>, vector<16xf32>,
    %add3A_19 = arith.constant 16 : i32
    %add3A_20 = vector.broadcast %add3A_19 : i32 to vector<16xi32>
    %add3A_21 = arith.addi %add3A_20, %iota3A : vector<16xi32>
    %mul3A_22 = arith.constant 16 : i32
    %mul3A_23 = vector.broadcast %mul3A_22 : i32 to vector<16xi32>
    %mul3A_24 = arith.muli %add3A_21, %mul3A_23 : vector<16xi32>
    %swap3A_25 = arith.constant 0 : i32
    %swap3A_26 = arith.index_cast %swap3A_25 : i32 to index
    %swap3A_27 = arith.constant 16 : index
    %swap3A_28 = tpu.vector_load %arg6[%swap3A_26, %swap3A_27] {strides = array<i32>} : memref<2x128xi32, #tpu.memory_space<vmem>>, vector<16xi32>,
    tpu.vector_store %arg6[%swap3A_26, %swap3A_27], %mul3A_24 {strides = array<i32>} : memref<2x128xi32, #tpu.memory_space<vmem>>, vector<16xi32>,
    %swap3A_29 = arith.constant 0 : i32
    %swap3A_30 = arith.index_cast %swap3A_29 : i32 to index
    %swap3A_31 = arith.constant 16 : index
    %swap3A_32 = tpu.vector_load %arg7[%swap3A_30, %swap3A_31] {strides = array<i32>} : memref<2x128xf32, #tpu.memory_space<vmem>>, vector<16xf32>,
    tpu.vector_store %arg7[%swap3A_30, %swap3A_31], %broadcast_in_dim3A_3 {strides = array<i32>} : memref<2x128xf32, #tpu.memory_space<vmem>>, vector<16xf32>,
    %add3A_33 = arith.constant 32 : i32
    %add3A_34 = vector.broadcast %add3A_33 : i32 to vector<16xi32>
    %add3A_35 = arith.addi %add3A_34, %iota3A : vector<16xi32>
    %mul3A_36 = arith.constant 16 : i32
    %mul3A_37 = vector.broadcast %mul3A_36 : i32 to vector<16xi32>
    %mul3A_38 = arith.muli %add3A_35, %mul3A_37 : vector<16xi32>
    %swap3A_39 = arith.constant 0 : i32
    %swap3A_40 = arith.index_cast %swap3A_39 : i32 to index
    %swap3A_41 = arith.constant 32 : index
    %swap3A_42 = tpu.vector_load %arg6[%swap3A_40, %swap3A_41] {strides = array<i32>} : memref<2x128xi32, #tpu.memory_space<vmem>>, vector<16xi32>,
    tpu.vector_store %arg6[%swap3A_40, %swap3A_41], %mul3A_38 {strides = array<i32>} : memref<2x128xi32, #tpu.memory_space<vmem>>, vector<16xi32>,
    %swap3A_43 = arith.constant 0 : i32
    %swap3A_44 = arith.index_cast %swap3A_43 : i32 to index
    %swap3A_45 = arith.constant 32 : index
    %swap3A_46 = tpu.vector_load %arg7[%swap3A_44, %swap3A_45] {strides = array<i32>} : memref<2x128xf32, #tpu.memory_space<vmem>>, vector<16xf32>,
    tpu.vector_store %arg7[%swap3A_44, %swap3A_45], %broadcast_in_dim3A_3 {strides = array<i32>} : memref<2x128xf32, #tpu.memory_space<vmem>>, vector<16xf32>,
    %add3A_47 = arith.constant 48 : i32
    %add3A_48 = vector.broadcast %add3A_47 : i32 to vector<16xi32>
    %add3A_49 = arith.addi %add3A_48, %iota3A : vector<16xi32>
    %mul3A_50 = arith.constant 16 : i32
    %mul3A_51 = vector.broadcast %mul3A_50 : i32 to vector<16xi32>
    %mul3A_52 = arith.muli %add3A_49, %mul3A_51 : vector<16xi32>
    %swap3A_53 = arith.constant 0 : i32
    %swap3A_54 = arith.index_cast %swap3A_53 : i32 to index
    %swap3A_55 = arith.constant 48 : index
    %swap3A_56 = tpu.vector_load %arg6[%swap3A_54, %swap3A_55] {strides = array<i32>} : memref<2x128xi32, #tpu.memory_space<vmem>>, vector<16xi32>,
    tpu.vector_store %arg6[%swap3A_54, %swap3A_55], %mul3A_52 {strides = array<i32>} : memref<2x128xi32, #tpu.memory_space<vmem>>, vector<16xi32>,
    %swap3A_57 = arith.constant 0 : i32
    %swap3A_58 = arith.index_cast %swap3A_57 : i32 to index
    %swap3A_59 = arith.constant 48 : index
    %swap3A_60 = tpu.vector_load %arg7[%swap3A_58, %swap3A_59] {strides = array<i32>} : memref<2x128xf32, #tpu.memory_space<vmem>>, vector<16xf32>,
    tpu.vector_store %arg7[%swap3A_58, %swap3A_59], %broadcast_in_dim3A_3 {strides = array<i32>} : memref<2x128xf32, #tpu.memory_space<vmem>>, vector<16xf32>,
    %add3A_61 = arith.constant 64 : i32
    %add3A_62 = vector.broadcast %add3A_61 : i32 to vector<16xi32>
    %add3A_63 = arith.addi %add3A_62, %iota3A : vector<16xi32>
    %mul3A_64 = arith.constant 16 : i32
    %mul3A_65 = vector.broadcast %mul3A_64 : i32 to vector<16xi32>
    %mul3A_66 = arith.muli %add3A_63, %mul3A_65 : vector<16xi32>
    %swap3A_67 = arith.constant 0 : i32
    %swap3A_68 = arith.index_cast %swap3A_67 : i32 to index
    %swap3A_69 = arith.constant 64 : index
    %swap3A_70 = tpu.vector_load %arg6[%swap3A_68, %swap3A_69] {strides = array<i32>} : memref<2x128xi32, #tpu.memory_space<vmem>>, vector<16xi32>,
    tpu.vector_store %arg6[%swap3A_68, %swap3A_69], %mul3A_66 {strides = array<i32>} : memref<2x128xi32, #tpu.memory_space<vmem>>, vector<16xi32>,
    %swap3A_71 = arith.constant 0 : i32
    %swap3A_72 = arith.index_cast %swap3A_71 : i32 to index
    %swap3A_73 = arith.constant 64 : index
    %swap3A_74 = tpu.vector_load %arg7[%swap3A_72, %swap3A_73] {strides = array<i32>} : memref<2x128xf32, #tpu.memory_space<vmem>>, vector<16xf32>,
    tpu.vector_store %arg7[%swap3A_72, %swap3A_73], %broadcast_in_dim3A_3 {strides = array<i32>} : memref<2x128xf32, #tpu.memory_space<vmem>>, vector<16xf32>,
    %add3A_75 = arith.constant 80 : i32
    %add3A_76 = vector.broadcast %add3A_75 : i32 to vector<16xi32>
    %add3A_77 = arith.addi %add3A_76, %iota3A : vector<16xi32>
    %mul3A_78 = arith.constant 16 : i32
    %mul3A_79 = vector.broadcast %mul3A_78 : i32 to vector<16xi32>
    %mul3A_80 = arith.muli %add3A_77, %mul3A_79 : vector<16xi32>
    %swap3A_81 = arith.constant 0 : i32
    %swap3A_82 = arith.index_cast %swap3A_81 : i32 to index
    %swap3A_83 = arith.constant 80 : index
    %swap3A_84 = tpu.vector_load %arg6[%swap3A_82, %swap3A_83] {strides = array<i32>} : memref<2x128xi32, #tpu.memory_space<vmem>>, vector<16xi32>,
    tpu.vector_store %arg6[%swap3A_82, %swap3A_83], %mul3A_80 {strides = array<i32>} : memref<2x128xi32, #tpu.memory_space<vmem>>, vector<16xi32>,
    %swap3A_85 = arith.constant 0 : i32
    %swap3A_86 = arith.index_cast %swap3A_85 : i32 to index
    %swap3A_87 = arith.constant 80 : index
    %swap3A_88 = tpu.vector_load %arg7[%swap3A_86, %swap3A_87] {strides = array<i32>} : memref<2x128xf32, #tpu.memory_space<vmem>>, vector<16xf32>,
    tpu.vector_store %arg7[%swap3A_86, %swap3A_87], %broadcast_in_dim3A_3 {strides = array<i32>} : memref<2x128xf32, #tpu.memory_space<vmem>>, vector<16xf32>,
    %add3A_89 = arith.constant 96 : i32
    %add3A_90 = vector.broadcast %add3A_89 : i32 to vector<16xi32>
    %add3A_91 = arith.addi %add3A_90, %iota3A : vector<16xi32>
    %mul3A_92 = arith.constant 16 : i32
    %mul3A_93 = vector.broadcast %mul3A_92 : i32 to vector<16xi32>
    %mul3A_94 = arith.muli %add3A_91, %mul3A_93 : vector<16xi32>
    %swap3A_95 = arith.constant 0 : i32
    %swap3A_96 = arith.index_cast %swap3A_95 : i32 to index
    %swap3A_97 = arith.constant 96 : index
    %swap3A_98 = tpu.vector_load %arg6[%swap3A_96, %swap3A_97] {strides = array<i32>} : memref<2x128xi32, #tpu.memory_space<vmem>>, vector<16xi32>,
    tpu.vector_store %arg6[%swap3A_96, %swap3A_97], %mul3A_94 {strides = array<i32>} : memref<2x128xi32, #tpu.memory_space<vmem>>, vector<16xi32>,
    %swap3A_99 = arith.constant 0 : i32
    %swap3A_100 = arith.index_cast %swap3A_99 : i32 to index
    %swap3A_101 = arith.constant 96 : index
    %swap3A_102 = tpu.vector_load %arg7[%swap3A_100, %swap3A_101] {strides = array<i32>} : memref<2x128xf32, #tpu.memory_space<vmem>>, vector<16xf32>,
    tpu.vector_store %arg7[%swap3A_100, %swap3A_101], %broadcast_in_dim3A_3 {strides = array<i32>} : memref<2x128xf32, #tpu.memory_space<vmem>>, vector<16xf32>,
    %add3A_103 = arith.constant 112 : i32
    %add3A_104 = vector.broadcast %add3A_103 : i32 to vector<16xi32>
    %add3A_105 = arith.addi %add3A_104, %iota3A : vector<16xi32>
    %mul3A_106 = arith.constant 16 : i32
    %mul3A_107 = vector.broadcast %mul3A_106 : i32 to vector<16xi32>
    %mul3A_108 = arith.muli %add3A_105, %mul3A_107 : vector<16xi32>
    %swap3A_109 = arith.constant 0 : i32
    %swap3A_110 = arith.index_cast %swap3A_109 : i32 to index
    %swap3A_111 = arith.constant 112 : index
    %swap3A_112 = tpu.vector_load %arg6[%swap3A_110, %swap3A_111] {strides = array<i32>} : memref<2x128xi32, #tpu.memory_space<vmem>>, vector<16xi32>,
    tpu.vector_store %arg6[%swap3A_110, %swap3A_111], %mul3A_108 {strides = array<i32>} : memref<2x128xi32, #tpu.memory_space<vmem>>, vector<16xi32>,
    %swap3A_113 = arith.constant 0 : i32
    %swap3A_114 = arith.index_cast %swap3A_113 : i32 to index
    %swap3A_115 = arith.constant 112 : index
    %swap3A_116 = tpu.vector_load %arg7[%swap3A_114, %swap3A_115] {strides = array<i32>} : memref<2x128xf32, #tpu.memory_space<vmem>>, vector<16xf32>,
    tpu.vector_store %arg7[%swap3A_114, %swap3A_115], %broadcast_in_dim3A_3 {strides = array<i32>} : memref<2x128xf32, #tpu.memory_space<vmem>>, vector<16xf32>,
    %add3A_117 = arith.constant 128 : i32
    %add3A_118 = vector.broadcast %add3A_117 : i32 to vector<16xi32>
    %add3A_119 = arith.addi %add3A_118, %iota3A : vector<16xi32>
    %mul3A_120 = arith.constant 16 : i32
    %mul3A_121 = vector.broadcast %mul3A_120 : i32 to vector<16xi32>
    %mul3A_122 = arith.muli %add3A_119, %mul3A_121 : vector<16xi32>
    %swap3A_123 = arith.constant 1 : i32
    %swap3A_124 = arith.index_cast %swap3A_123 : i32 to index
    %swap3A_125 = arith.constant 0 : index
    %swap3A_126 = tpu.vector_load %arg6[%swap3A_124, %swap3A_125] {strides = array<i32>} : memref<2x128xi32, #tpu.memory_space<vmem>>, vector<16xi32>,
    tpu.vector_store %arg6[%swap3A_124, %swap3A_125], %mul3A_122 {strides = array<i32>} : memref<2x128xi32, #tpu.memory_space<vmem>>, vector<16xi32>,
    %swap3A_127 = arith.constant 1 : i32
    %swap3A_128 = arith.index_cast %swap3A_127 : i32 to index
    %swap3A_129 = arith.constant 0 : index
    %swap3A_130 = tpu.vector_load %arg7[%swap3A_128, %swap3A_129] {strides = array<i32>} : memref<2x128xf32, #tpu.memory_space<vmem>>, vector<16xf32>,
    tpu.vector_store %arg7[%swap3A_128, %swap3A_129], %broadcast_in_dim3A_3 {strides = array<i32>} : memref<2x128xf32, #tpu.memory_space<vmem>>, vector<16xf32>,
    %add3A_131 = arith.constant 144 : i32
    %add3A_132 = vector.broadcast %add3A_131 : i32 to vector<16xi32>
    %add3A_133 = arith.addi %add3A_132, %iota3A : vector<16xi32>
    %mul3A_134 = arith.constant 16 : i32
    %mul3A_135 = vector.broadcast %mul3A_134 : i32 to vector<16xi32>
    %mul3A_136 = arith.muli %add3A_133, %mul3A_135 : vector<16xi32>
    %swap3A_137 = arith.constant 1 : i32
    %swap3A_138 = arith.index_cast %swap3A_137 : i32 to index
    %swap3A_139 = arith.constant 16 : index
    %swap3A_140 = tpu.vector_load %arg6[%swap3A_138, %swap3A_139] {strides = array<i32>} : memref<2x128xi32, #tpu.memory_space<vmem>>, vector<16xi32>,
    tpu.vector_store %arg6[%swap3A_138, %swap3A_139], %mul3A_136 {strides = array<i32>} : memref<2x128xi32, #tpu.memory_space<vmem>>, vector<16xi32>,
    %swap3A_141 = arith.constant 1 : i32
    %swap3A_142 = arith.index_cast %swap3A_141 : i32 to index
    %swap3A_143 = arith.constant 16 : index
    %swap3A_144 = tpu.vector_load %arg7[%swap3A_142, %swap3A_143] {strides = array<i32>} : memref<2x128xf32, #tpu.memory_space<vmem>>, vector<16xf32>,
    tpu.vector_store %arg7[%swap3A_142, %swap3A_143], %broadcast_in_dim3A_3 {strides = array<i32>} : memref<2x128xf32, #tpu.memory_space<vmem>>, vector<16xf32>,
    %add3A_145 = arith.constant 160 : i32
    %add3A_146 = vector.broadcast %add3A_145 : i32 to vector<16xi32>
    %add3A_147 = arith.addi %add3A_146, %iota3A : vector<16xi32>
    %mul3A_148 = arith.constant 16 : i32
    %mul3A_149 = vector.broadcast %mul3A_148 : i32 to vector<16xi32>
    %mul3A_150 = arith.muli %add3A_147, %mul3A_149 : vector<16xi32>
    %swap3A_151 = arith.constant 1 : i32
    %swap3A_152 = arith.index_cast %swap3A_151 : i32 to index
    %swap3A_153 = arith.constant 32 : index
    %swap3A_154 = tpu.vector_load %arg6[%swap3A_152, %swap3A_153] {strides = array<i32>} : memref<2x128xi32, #tpu.memory_space<vmem>>, vector<16xi32>,
    tpu.vector_store %arg6[%swap3A_152, %swap3A_153], %mul3A_150 {strides = array<i32>} : memref<2x128xi32, #tpu.memory_space<vmem>>, vector<16xi32>,
    %swap3A_155 = arith.constant 1 : i32
    %swap3A_156 = arith.index_cast %swap3A_155 : i32 to index
    %swap3A_157 = arith.constant 32 : index
    %swap3A_158 = tpu.vector_load %arg7[%swap3A_156, %swap3A_157] {strides = array<i32>} : memref<2x128xf32, #tpu.memory_space<vmem>>, vector<16xf32>,
    tpu.vector_store %arg7[%swap3A_156, %swap3A_157], %broadcast_in_dim3A_3 {strides = array<i32>} : memref<2x128xf32, #tpu.memory_space<vmem>>, vector<16xf32>,
    %add3A_159 = arith.constant 176 : i32
    %add3A_160 = vector.broadcast %add3A_159 : i32 to vector<16xi32>
    %add3A_161 = arith.addi %add3A_160, %iota3A : vector<16xi32>
    %mul3A_162 = arith.constant 16 : i32
    %mul3A_163 = vector.broadcast %mul3A_162 : i32 to vector<16xi32>
    %mul3A_164 = arith.muli %add3A_161, %mul3A_163 : vector<16xi32>
    %swap3A_165 = arith.constant 1 : i32
    %swap3A_166 = arith.index_cast %swap3A_165 : i32 to index
    %swap3A_167 = arith.constant 48 : index
    %swap3A_168 = tpu.vector_load %arg6[%swap3A_166, %swap3A_167] {strides = array<i32>} : memref<2x128xi32, #tpu.memory_space<vmem>>, vector<16xi32>,
    tpu.vector_store %arg6[%swap3A_166, %swap3A_167], %mul3A_164 {strides = array<i32>} : memref<2x128xi32, #tpu.memory_space<vmem>>, vector<16xi32>,
    %swap3A_169 = arith.constant 1 : i32
    %swap3A_170 = arith.index_cast %swap3A_169 : i32 to index
    %swap3A_171 = arith.constant 48 : index
    %swap3A_172 = tpu.vector_load %arg7[%swap3A_170, %swap3A_171] {strides = array<i32>} : memref<2x128xf32, #tpu.memory_space<vmem>>, vector<16xf32>,
    tpu.vector_store %arg7[%swap3A_170, %swap3A_171], %broadcast_in_dim3A_3 {strides = array<i32>} : memref<2x128xf32, #tpu.memory_space<vmem>>, vector<16xf32>,
    %add3A_173 = arith.constant 192 : i32
    %add3A_174 = vector.broadcast %add3A_173 : i32 to vector<16xi32>
    %add3A_175 = arith.addi %add3A_174, %iota3A : vector<16xi32>
    %mul3A_176 = arith.constant 16 : i32
    %mul3A_177 = vector.broadcast %mul3A_176 : i32 to vector<16xi32>
    %mul3A_178 = arith.muli %add3A_175, %mul3A_177 : vector<16xi32>
    %swap3A_179 = arith.constant 1 : i32
    %swap3A_180 = arith.index_cast %swap3A_179 : i32 to index
    %swap3A_181 = arith.constant 64 : index
    %swap3A_182 = tpu.vector_load %arg6[%swap3A_180, %swap3A_181] {strides = array<i32>} : memref<2x128xi32, #tpu.memory_space<vmem>>, vector<16xi32>,
    tpu.vector_store %arg6[%swap3A_180, %swap3A_181], %mul3A_178 {strides = array<i32>} : memref<2x128xi32, #tpu.memory_space<vmem>>, vector<16xi32>,
    %swap3A_183 = arith.constant 1 : i32
    %swap3A_184 = arith.index_cast %swap3A_183 : i32 to index
    %swap3A_185 = arith.constant 64 : index
    %swap3A_186 = tpu.vector_load %arg7[%swap3A_184, %swap3A_185] {strides = array<i32>} : memref<2x128xf32, #tpu.memory_space<vmem>>, vector<16xf32>,
    tpu.vector_store %arg7[%swap3A_184, %swap3A_185], %broadcast_in_dim3A_3 {strides = array<i32>} : memref<2x128xf32, #tpu.memory_space<vmem>>, vector<16xf32>,
    %add3A_187 = arith.constant 208 : i32
    %add3A_188 = vector.broadcast %add3A_187 : i32 to vector<16xi32>
    %add3A_189 = arith.addi %add3A_188, %iota3A : vector<16xi32>
    %mul3A_190 = arith.constant 16 : i32
    %mul3A_191 = vector.broadcast %mul3A_190 : i32 to vector<16xi32>
    %mul3A_192 = arith.muli %add3A_189, %mul3A_191 : vector<16xi32>
    %swap3A_193 = arith.constant 1 : i32
    %swap3A_194 = arith.index_cast %swap3A_193 : i32 to index
    %swap3A_195 = arith.constant 80 : index
    %swap3A_196 = tpu.vector_load %arg6[%swap3A_194, %swap3A_195] {strides = array<i32>} : memref<2x128xi32, #tpu.memory_space<vmem>>, vector<16xi32>,
    tpu.vector_store %arg6[%swap3A_194, %swap3A_195], %mul3A_192 {strides = array<i32>} : memref<2x128xi32, #tpu.memory_space<vmem>>, vector<16xi32>,
    %swap3A_197 = arith.constant 1 : i32
    %swap3A_198 = arith.index_cast %swap3A_197 : i32 to index
    %swap3A_199 = arith.constant 80 : index
    %swap3A_200 = tpu.vector_load %arg7[%swap3A_198, %swap3A_199] {strides = array<i32>} : memref<2x128xf32, #tpu.memory_space<vmem>>, vector<16xf32>,
    tpu.vector_store %arg7[%swap3A_198, %swap3A_199], %broadcast_in_dim3A_3 {strides = array<i32>} : memref<2x128xf32, #tpu.memory_space<vmem>>, vector<16xf32>,
    %add3A_201 = arith.constant 224 : i32
    %add3A_202 = vector.broadcast %add3A_201 : i32 to vector<16xi32>
    %add3A_203 = arith.addi %add3A_202, %iota3A : vector<16xi32>
    %mul3A_204 = arith.constant 16 : i32
    %mul3A_205 = vector.broadcast %mul3A_204 : i32 to vector<16xi32>
    %mul3A_206 = arith.muli %add3A_203, %mul3A_205 : vector<16xi32>
    %swap3A_207 = arith.constant 1 : i32
    %swap3A_208 = arith.index_cast %swap3A_207 : i32 to index
    %swap3A_209 = arith.constant 96 : index
    %swap3A_210 = tpu.vector_load %arg6[%swap3A_208, %swap3A_209] {strides = array<i32>} : memref<2x128xi32, #tpu.memory_space<vmem>>, vector<16xi32>,
    tpu.vector_store %arg6[%swap3A_208, %swap3A_209], %mul3A_206 {strides = array<i32>} : memref<2x128xi32, #tpu.memory_space<vmem>>, vector<16xi32>,
    %swap3A_211 = arith.constant 1 : i32
    %swap3A_212 = arith.index_cast %swap3A_211 : i32 to index
    %swap3A_213 = arith.constant 96 : index
    %swap3A_214 = tpu.vector_load %arg7[%swap3A_212, %swap3A_213] {strides = array<i32>} : memref<2x128xf32, #tpu.memory_space<vmem>>, vector<16xf32>,
    tpu.vector_store %arg7[%swap3A_212, %swap3A_213], %broadcast_in_dim3A_3 {strides = array<i32>} : memref<2x128xf32, #tpu.memory_space<vmem>>, vector<16xf32>,
    %add3A_215 = arith.constant 240 : i32
    %add3A_216 = vector.broadcast %add3A_215 : i32 to vector<16xi32>
    %add3A_217 = arith.addi %add3A_216, %iota3A : vector<16xi32>
    %mul3A_218 = arith.constant 16 : i32
    %mul3A_219 = vector.broadcast %mul3A_218 : i32 to vector<16xi32>
    %mul3A_220 = arith.muli %add3A_217, %mul3A_219 : vector<16xi32>
    %swap3A_221 = arith.constant 1 : i32
    %swap3A_222 = arith.index_cast %swap3A_221 : i32 to index
    %swap3A_223 = arith.constant 112 : index
    %swap3A_224 = tpu.vector_load %arg6[%swap3A_222, %swap3A_223] {strides = array<i32>} : memref<2x128xi32, #tpu.memory_space<vmem>>, vector<16xi32>,
    tpu.vector_store %arg6[%swap3A_222, %swap3A_223], %mul3A_220 {strides = array<i32>} : memref<2x128xi32, #tpu.memory_space<vmem>>, vector<16xi32>,
    %swap3A_225 = arith.constant 1 : i32
    %swap3A_226 = arith.index_cast %swap3A_225 : i32 to index
    %swap3A_227 = arith.constant 112 : index
    %swap3A_228 = tpu.vector_load %arg7[%swap3A_226, %swap3A_227] {strides = array<i32>} : memref<2x128xf32, #tpu.memory_space<vmem>>, vector<16xf32>,
    tpu.vector_store %arg7[%swap3A_226, %swap3A_227], %broadcast_in_dim3A_3 {strides = array<i32>} : memref<2x128xf32, #tpu.memory_space<vmem>>, vector<16xf32>,
    %add3A_229 = arith.constant 16 : i32
    %add3A_230 = vector.broadcast %add3A_229 : i32 to vector<16xi32>
    %add3A_231 = arith.addi %iota3A, %add3A_230 : vector<16xi32>
    %sub3A = arith.constant 1 : i32
    %sub3A_232 = vector.broadcast %sub3A : i32 to vector<16xi32>
    %sub3A_233 = arith.subi %add3A_231, %sub3A_232 : vector<16xi32>
    %and3A = arith.constant 15 : i32
    %and3A_234 = vector.broadcast %and3A : i32 to vector<16xi32>
    %and3A_235 = arith.andi %sub3A_233, %and3A_234 : vector<16xi32>
    %scan3A = arith.constant 0 : i32
    %scan3A_236 = arith.constant 256 : i32
    %scan3A_237 = arith.addi %scan3A, %scan3A_236 : i32
    %scan3A_238 = arith.constant 1 : i32
    scf.for %scan3A_283 = %scan3A to %scan3A_237 step %scan3A_238  : i32 {
      %mul3A_284 = arith.constant 16 : i32
      %mul3A_285 = arith.muli %scan3A_283, %mul3A_284 : i32
      %multiple_of3A = tpu.assume_multiple %mul3A_285, 16 : i32
      %get3A = arith.index_cast %multiple_of3A : i32 to index
      %get3A_286 = tpu.vector_load %arg5[%get3A] {strides = array<i32>} : memref<4096xi32, #tpu.memory_space<vmem>>, vector<16xi32>,
      %mul3A_287 = arith.constant 4096 : i32
      %mul3A_288 = vector.broadcast %mul3A_287 : i32 to vector<16xi32>
      %mul3A_289 = arith.muli %get3A_286, %mul3A_288 : vector<16xi32>
      %add3A_290 = vector.broadcast %multiple_of3A : i32 to vector<16xi32>
      %add3A_291 = arith.addi %add3A_290, %iota3A : vector<16xi32>
      %add3A_292 = arith.addi %mul3A_289, %add3A_291 : vector<16xi32>
      %sort3A = arith.constant dense<true> : vector<16xi1>
      %sort3A_293, %sort3A_294, %sort3A_295 = tpu.sort %add3A_292, %add3A_292 masked %sort3A : (vector<16xi32>, vector<16xi32>, vector<16xi1>) -> (vector<16xi1>, vector<16xi32>, vector<16xi32>)
      %masked_sort3A = arith.constant dense<true> : vector<16xi1>
      %masked_sort3A_296 = arith.constant -2147483648 : i32
      %masked_sort3A_297 = vector.broadcast %masked_sort3A_296 : i32 to vector<16xi32>
      %masked_sort3A_298 = arith.xori %and3A_235, %masked_sort3A_297 : vector<16xi32>
      %masked_sort3A_299, %masked_sort3A_300, %masked_sort3A_301 = tpu.sort %masked_sort3A_298, %sort3A_294 masked %masked_sort3A : (vector<16xi32>, vector<16xi32>, vector<16xi1>) -> (vector<16xi1>, vector<16xi32>, vector<16xi32>)
      %masked_sort3A_302 = arith.xori %masked_sort3A_300, %masked_sort3A_297 : vector<16xi32>
      %shift_right_arithmetic3A = arith.constant 12 : i32
      %shift_right_arithmetic3A_303 = vector.broadcast %shift_right_arithmetic3A : i32 to vector<16xi32>
      %shift_right_arithmetic3A_304 = arith.shrsi %sort3A_294, %shift_right_arithmetic3A_303 : vector<16xi32>
      %shift_right_arithmetic3A_305 = arith.constant 12 : i32
      %shift_right_arithmetic3A_306 = vector.broadcast %shift_right_arithmetic3A_305 : i32 to vector<16xi32>
      %shift_right_arithmetic3A_307 = arith.shrsi %masked_sort3A_301, %shift_right_arithmetic3A_306 : vector<16xi32>
      %ne3A = arith.cmpi ne, %shift_right_arithmetic3A_304, %shift_right_arithmetic3A_307 : vector<16xi32>
      %eq3A = arith.constant 15 : i32
      %eq3A_308 = vector.broadcast %eq3A : i32 to vector<16xi32>
      %eq3A_309 = arith.cmpi eq, %iota3A, %eq3A_308 : vector<16xi32>
      %or3A = arith.ori %ne3A, %eq3A_309 : vector<16xi1>
      %ge3A = vector.broadcast %mul3A_2 : i32 to vector<16xi32>
      %ge3A_310 = arith.cmpi sge, %shift_right_arithmetic3A_304, %ge3A : vector<16xi32>
      %and3A_311 = arith.andi %or3A, %ge3A_310 : vector<16xi1>
      %add3A_312 = arith.constant 256 : i32
      %add3A_313 = arith.addi %mul3A_2, %add3A_312 : i32
      %lt3A = vector.broadcast %add3A_313 : i32 to vector<16xi32>
      %lt3A_314 = arith.cmpi slt, %shift_right_arithmetic3A_304, %lt3A : vector<16xi32>
      %and3A_315 = arith.andi %and3A_311, %lt3A_314 : vector<16xi1>
      %sub3A_316 = vector.broadcast %mul3A_2 : i32 to vector<16xi32>
      %sub3A_317 = arith.subi %shift_right_arithmetic3A_304, %sub3A_316 : vector<16xi32>
      %jit3A = arith.constant 0 : i32
      %jit3A_318 = arith.constant 255 : i32
      %max3A = vector.broadcast %jit3A : i32 to vector<16xi32>
      %max3A_319 = arith.maxsi %max3A, %sub3A_317 : vector<16xi32>
      %min3A = vector.broadcast %jit3A_318 : i32 to vector<16xi32>
      %min3A_320 = arith.minsi %min3A, %max3A_319 : vector<16xi32>
      %shift_right_arithmetic3A_321 = arith.constant 7 : i32
      %shift_right_arithmetic3A_322 = vector.broadcast %shift_right_arithmetic3A_321 : i32 to vector<16xi32>
      %shift_right_arithmetic3A_323 = arith.shrsi %min3A_320, %shift_right_arithmetic3A_322 : vector<16xi32>
      %and3A_324 = arith.constant 127 : i32
      %and3A_325 = vector.broadcast %and3A_324 : i32 to vector<16xi32>
      %and3A_326 = arith.andi %min3A_320, %and3A_325 : vector<16xi32>
      %and3A_327 = arith.constant 4095 : i32
      %and3A_328 = vector.broadcast %and3A_327 : i32 to vector<16xi32>
      %and3A_329 = arith.andi %sort3A_294, %and3A_328 : vector<16xi32>
      tpu.vector_store_idx %arg6[%shift_right_arithmetic3A_323, %and3A_326], %and3A_329 masked %and3A_315 : memref<2x128xi32, #tpu.memory_space<vmem>>[vector<16xi32>, vector<16xi32>], vector<16xi32>, vector<16xi1>
      tpu.vector_store_idx %arg7[%shift_right_arithmetic3A_323, %and3A_326], %broadcast_in_dim3A_5 masked %and3A_315 : memref<2x128xf32, #tpu.memory_space<vmem>>[vector<16xi32>, vector<16xi32>], vector<16xf32>, vector<16xi1>
    }
    %scan3A_239 = arith.constant 256 : i32
    %dma_start3A = arith.constant 0 : i32
    %dma_start3A_240 = arith.constant 0 : i32
    %dma_start3A_241 = arith.constant 0 : i32
    %dma_start3A_242 = tpu.memref_slice %arg8[%dma_start3A_240, %dma_start3A_241] : memref<256x256xf32, #tpu.memory_space<vmem>> -> memref<128x256xf32, #tpu.memory_space<vmem>>
    %dma_start3A_243 = arith.constant 0 : i32
    %dma_start3A_244 = tpu.memref_slice %arg6[%dma_start3A, %dma_start3A_243] : memref<2x128xi32, #tpu.memory_space<vmem>> -> memref<1x128xi32, #tpu.memory_space<vmem>>
    %dma_start3A_245 = tpu.memref_squeeze %dma_start3A_244 : memref<1x128xi32, #tpu.memory_space<vmem>> -> memref<128xi32, #tpu.memory_space<vmem>>
    %dma_start3A_246 = arith.constant 0 : i32
    %dma_start3A_247 = arith.constant 0 : i32
    %dma_start3A_248 = tpu.memref_slice %arg2[%dma_start3A_246, %dma_start3A_247] : memref<4096x256xf32, #tpu.memory_space<hbm>> -> memref<4096x256xf32, #tpu.memory_space<hbm>>
    tpu.enqueue_indirect_dma source(%dma_start3A_248 : memref<4096x256xf32, #tpu.memory_space<hbm>>) target(%dma_start3A_242 : memref<128x256xf32, #tpu.memory_space<vmem>>) offsets(%dma_start3A_245 : memref<128xi32, #tpu.memory_space<vmem>>) semaphore(%arg9 : memref<!tpu.dma_semaphore, #tpu.memory_space<semaphore_mem>>)
    %dma_start3A_249 = arith.constant 1 : i32
    %dma_start3A_250 = arith.constant 128 : i32
    %dma_start3A_251 = arith.constant 0 : i32
    %dma_start3A_252 = tpu.memref_slice %arg8[%dma_start3A_250, %dma_start3A_251] : memref<256x256xf32, #tpu.memory_space<vmem>> -> memref<128x256xf32, #tpu.memory_space<vmem>>
    %dma_start3A_253 = arith.constant 0 : i32
    %dma_start3A_254 = tpu.memref_slice %arg6[%dma_start3A_249, %dma_start3A_253] : memref<2x128xi32, #tpu.memory_space<vmem>> -> memref<1x128xi32, #tpu.memory_space<vmem>>
    %dma_start3A_255 = tpu.memref_squeeze %dma_start3A_254 : memref<1x128xi32, #tpu.memory_space<vmem>> -> memref<128xi32, #tpu.memory_space<vmem>>
    %dma_start3A_256 = arith.constant 0 : i32
    %dma_start3A_257 = arith.constant 0 : i32
    %dma_start3A_258 = tpu.memref_slice %arg2[%dma_start3A_256, %dma_start3A_257] : memref<4096x256xf32, #tpu.memory_space<hbm>> -> memref<4096x256xf32, #tpu.memory_space<hbm>>
    tpu.enqueue_indirect_dma source(%dma_start3A_258 : memref<4096x256xf32, #tpu.memory_space<hbm>>) target(%dma_start3A_252 : memref<128x256xf32, #tpu.memory_space<vmem>>) offsets(%dma_start3A_255 : memref<128xi32, #tpu.memory_space<vmem>>) semaphore(%arg9 : memref<!tpu.dma_semaphore, #tpu.memory_space<semaphore_mem>>)
    %dma_wait3A = arith.constant 0 : i32
    %dma_wait3A_259 = arith.constant 0 : i32
    %dma_wait3A_260 = arith.constant 0 : i32
    %dma_wait3A_261 = tpu.memref_slice %arg8[%dma_wait3A_259, %dma_wait3A_260] : memref<256x256xf32, #tpu.memory_space<vmem>> -> memref<128x256xf32, #tpu.memory_space<vmem>>
    %dma_wait3A_262 = arith.constant 0 : i32
    %dma_wait3A_263 = tpu.memref_slice %arg6[%dma_wait3A, %dma_wait3A_262] : memref<2x128xi32, #tpu.memory_space<vmem>> -> memref<1x128xi32, #tpu.memory_space<vmem>>
    %dma_wait3A_264 = tpu.memref_squeeze %dma_wait3A_263 : memref<1x128xi32, #tpu.memory_space<vmem>> -> memref<128xi32, #tpu.memory_space<vmem>>
    %dma_wait3A_265 = arith.constant 0 : i32
    %dma_wait3A_266 = arith.constant 0 : i32
    %dma_wait3A_267 = tpu.memref_slice %arg2[%dma_wait3A_265, %dma_wait3A_266] : memref<4096x256xf32, #tpu.memory_space<hbm>> -> memref<4096x256xf32, #tpu.memory_space<hbm>>
    tpu.wait_indirect_dma semaphore(%arg9 : memref<!tpu.dma_semaphore, #tpu.memory_space<semaphore_mem>>) src(%dma_wait3A_267 : memref<4096x256xf32, #tpu.memory_space<hbm>>) dst(%dma_wait3A_261 : memref<128x256xf32, #tpu.memory_space<vmem>>)
    %dma_wait3A_268 = arith.constant 1 : i32
    %dma_wait3A_269 = arith.constant 128 : i32
    %dma_wait3A_270 = arith.constant 0 : i32
    %dma_wait3A_271 = tpu.memref_slice %arg8[%dma_wait3A_269, %dma_wait3A_270] : memref<256x256xf32, #tpu.memory_space<vmem>> -> memref<128x256xf32, #tpu.memory_space<vmem>>
    %dma_wait3A_272 = arith.constant 0 : i32
    %dma_wait3A_273 = tpu.memref_slice %arg6[%dma_wait3A_268, %dma_wait3A_272] : memref<2x128xi32, #tpu.memory_space<vmem>> -> memref<1x128xi32, #tpu.memory_space<vmem>>
    %dma_wait3A_274 = tpu.memref_squeeze %dma_wait3A_273 : memref<1x128xi32, #tpu.memory_space<vmem>> -> memref<128xi32, #tpu.memory_space<vmem>>
    %dma_wait3A_275 = arith.constant 0 : i32
    %dma_wait3A_276 = arith.constant 0 : i32
    %dma_wait3A_277 = tpu.memref_slice %arg2[%dma_wait3A_275, %dma_wait3A_276] : memref<4096x256xf32, #tpu.memory_space<hbm>> -> memref<4096x256xf32, #tpu.memory_space<hbm>>
    tpu.wait_indirect_dma semaphore(%arg9 : memref<!tpu.dma_semaphore, #tpu.memory_space<semaphore_mem>>) src(%dma_wait3A_277 : memref<4096x256xf32, #tpu.memory_space<hbm>>) dst(%dma_wait3A_271 : memref<128x256xf32, #tpu.memory_space<vmem>>)
    %scan3A_278 = arith.constant 0 : i32
    %scan3A_279 = arith.constant 256 : i32
    %scan3A_280 = arith.addi %scan3A_278, %scan3A_279 : i32
    %scan3A_281 = arith.constant 1 : i32
    scf.for %scan3A_283 = %scan3A_278 to %scan3A_280 step %scan3A_281  : i32 {
      %shift_right_arithmetic3A = arith.constant 7 : i32
      %shift_right_arithmetic3A_284 = arith.shrsi %scan3A_283, %shift_right_arithmetic3A : i32
      %broadcast_in_dim3A_285 = vector.broadcast %shift_right_arithmetic3A_284 : i32 to vector<16xi32>
      %and3A_286 = arith.constant 127 : i32
      %and3A_287 = arith.andi %scan3A_283, %and3A_286 : i32
      %broadcast_in_dim3A_288 = vector.broadcast %and3A_287 : i32 to vector<16xi32>
      %gather3A = tpu.vector_load_idx %arg7[%broadcast_in_dim3A_285, %broadcast_in_dim3A_288] : memref<2x128xf32, #tpu.memory_space<vmem>>[vector<16xi32>, vector<16xi32>], vector<16xf32>,
      %get3A = arith.index_cast %scan3A_283 : i32 to index
      %get3A_289 = arith.constant 0 : index
      %get3A_290 = tpu.vector_load %arg8[%get3A, %get3A_289] {strides = array<i32>} : memref<256x256xf32, #tpu.memory_space<vmem>>, vector<16xf32>,
      %mul3A_291 = arith.mulf %get3A_290, %gather3A : vector<16xf32>
      %swap3A_292 = arith.index_cast %scan3A_283 : i32 to index
      %swap3A_293 = arith.constant 0 : index
      %swap3A_294 = tpu.vector_load %arg8[%swap3A_292, %swap3A_293] {strides = array<i32>} : memref<256x256xf32, #tpu.memory_space<vmem>>, vector<16xf32>,
      tpu.vector_store %arg8[%swap3A_292, %swap3A_293], %mul3A_291 {strides = array<i32>} : memref<256x256xf32, #tpu.memory_space<vmem>>, vector<16xf32>,
      %get3A_295 = arith.index_cast %scan3A_283 : i32 to index
      %get3A_296 = arith.constant 16 : index
      %get3A_297 = tpu.vector_load %arg8[%get3A_295, %get3A_296] {strides = array<i32>} : memref<256x256xf32, #tpu.memory_space<vmem>>, vector<16xf32>,
      %mul3A_298 = arith.mulf %get3A_297, %gather3A : vector<16xf32>
      %swap3A_299 = arith.index_cast %scan3A_283 : i32 to index
      %swap3A_300 = arith.constant 16 : index
      %swap3A_301 = tpu.vector_load %arg8[%swap3A_299, %swap3A_300] {strides = array<i32>} : memref<256x256xf32, #tpu.memory_space<vmem>>, vector<16xf32>,
      tpu.vector_store %arg8[%swap3A_299, %swap3A_300], %mul3A_298 {strides = array<i32>} : memref<256x256xf32, #tpu.memory_space<vmem>>, vector<16xf32>,
      %get3A_302 = arith.index_cast %scan3A_283 : i32 to index
      %get3A_303 = arith.constant 32 : index
      %get3A_304 = tpu.vector_load %arg8[%get3A_302, %get3A_303] {strides = array<i32>} : memref<256x256xf32, #tpu.memory_space<vmem>>, vector<16xf32>,
      %mul3A_305 = arith.mulf %get3A_304, %gather3A : vector<16xf32>
      %swap3A_306 = arith.index_cast %scan3A_283 : i32 to index
      %swap3A_307 = arith.constant 32 : index
      %swap3A_308 = tpu.vector_load %arg8[%swap3A_306, %swap3A_307] {strides = array<i32>} : memref<256x256xf32, #tpu.memory_space<vmem>>, vector<16xf32>,
      tpu.vector_store %arg8[%swap3A_306, %swap3A_307], %mul3A_305 {strides = array<i32>} : memref<256x256xf32, #tpu.memory_space<vmem>>, vector<16xf32>,
      %get3A_309 = arith.index_cast %scan3A_283 : i32 to index
      %get3A_310 = arith.constant 48 : index
      %get3A_311 = tpu.vector_load %arg8[%get3A_309, %get3A_310] {strides = array<i32>} : memref<256x256xf32, #tpu.memory_space<vmem>>, vector<16xf32>,
      %mul3A_312 = arith.mulf %get3A_311, %gather3A : vector<16xf32>
      %swap3A_313 = arith.index_cast %scan3A_283 : i32 to index
      %swap3A_314 = arith.constant 48 : index
      %swap3A_315 = tpu.vector_load %arg8[%swap3A_313, %swap3A_314] {strides = array<i32>} : memref<256x256xf32, #tpu.memory_space<vmem>>, vector<16xf32>,
      tpu.vector_store %arg8[%swap3A_313, %swap3A_314], %mul3A_312 {strides = array<i32>} : memref<256x256xf32, #tpu.memory_space<vmem>>, vector<16xf32>,
      %get3A_316 = arith.index_cast %scan3A_283 : i32 to index
      %get3A_317 = arith.constant 64 : index
      %get3A_318 = tpu.vector_load %arg8[%get3A_316, %get3A_317] {strides = array<i32>} : memref<256x256xf32, #tpu.memory_space<vmem>>, vector<16xf32>,
      %mul3A_319 = arith.mulf %get3A_318, %gather3A : vector<16xf32>
      %swap3A_320 = arith.index_cast %scan3A_283 : i32 to index
      %swap3A_321 = arith.constant 64 : index
      %swap3A_322 = tpu.vector_load %arg8[%swap3A_320, %swap3A_321] {strides = array<i32>} : memref<256x256xf32, #tpu.memory_space<vmem>>, vector<16xf32>,
      tpu.vector_store %arg8[%swap3A_320, %swap3A_321], %mul3A_319 {strides = array<i32>} : memref<256x256xf32, #tpu.memory_space<vmem>>, vector<16xf32>,
      %get3A_323 = arith.index_cast %scan3A_283 : i32 to index
      %get3A_324 = arith.constant 80 : index
      %get3A_325 = tpu.vector_load %arg8[%get3A_323, %get3A_324] {strides = array<i32>} : memref<256x256xf32, #tpu.memory_space<vmem>>, vector<16xf32>,
      %mul3A_326 = arith.mulf %get3A_325, %gather3A : vector<16xf32>
      %swap3A_327 = arith.index_cast %scan3A_283 : i32 to index
      %swap3A_328 = arith.constant 80 : index
      %swap3A_329 = tpu.vector_load %arg8[%swap3A_327, %swap3A_328] {strides = array<i32>} : memref<256x256xf32, #tpu.memory_space<vmem>>, vector<16xf32>,
      tpu.vector_store %arg8[%swap3A_327, %swap3A_328], %mul3A_326 {strides = array<i32>} : memref<256x256xf32, #tpu.memory_space<vmem>>, vector<16xf32>,
      %get3A_330 = arith.index_cast %scan3A_283 : i32 to index
      %get3A_331 = arith.constant 96 : index
      %get3A_332 = tpu.vector_load %arg8[%get3A_330, %get3A_331] {strides = array<i32>} : memref<256x256xf32, #tpu.memory_space<vmem>>, vector<16xf32>,
      %mul3A_333 = arith.mulf %get3A_332, %gather3A : vector<16xf32>
      %swap3A_334 = arith.index_cast %scan3A_283 : i32 to index
      %swap3A_335 = arith.constant 96 : index
      %swap3A_336 = tpu.vector_load %arg8[%swap3A_334, %swap3A_335] {strides = array<i32>} : memref<256x256xf32, #tpu.memory_space<vmem>>, vector<16xf32>,
      tpu.vector_store %arg8[%swap3A_334, %swap3A_335], %mul3A_333 {strides = array<i32>} : memref<256x256xf32, #tpu.memory_space<vmem>>, vector<16xf32>,
      %get3A_337 = arith.index_cast %scan3A_283 : i32 to index
      %get3A_338 = arith.constant 112 : index
      %get3A_339 = tpu.vector_load %arg8[%get3A_337, %get3A_338] {strides = array<i32>} : memref<256x256xf32, #tpu.memory_space<vmem>>, vector<16xf32>,
      %mul3A_340 = arith.mulf %get3A_339, %gather3A : vector<16xf32>
      %swap3A_341 = arith.index_cast %scan3A_283 : i32 to index
      %swap3A_342 = arith.constant 112 : index
      %swap3A_343 = tpu.vector_load %arg8[%swap3A_341, %swap3A_342] {strides = array<i32>} : memref<256x256xf32, #tpu.memory_space<vmem>>, vector<16xf32>,
      tpu.vector_store %arg8[%swap3A_341, %swap3A_342], %mul3A_340 {strides = array<i32>} : memref<256x256xf32, #tpu.memory_space<vmem>>, vector<16xf32>,
      %get3A_344 = arith.index_cast %scan3A_283 : i32 to index
      %get3A_345 = arith.constant 128 : index
      %get3A_346 = tpu.vector_load %arg8[%get3A_344, %get3A_345] {strides = array<i32>} : memref<256x256xf32, #tpu.memory_space<vmem>>, vector<16xf32>,
      %mul3A_347 = arith.mulf %get3A_346, %gather3A : vector<16xf32>
      %swap3A_348 = arith.index_cast %scan3A_283 : i32 to index
      %swap3A_349 = arith.constant 128 : index
      %swap3A_350 = tpu.vector_load %arg8[%swap3A_348, %swap3A_349] {strides = array<i32>} : memref<256x256xf32, #tpu.memory_space<vmem>>, vector<16xf32>,
      tpu.vector_store %arg8[%swap3A_348, %swap3A_349], %mul3A_347 {strides = array<i32>} : memref<256x256xf32, #tpu.memory_space<vmem>>, vector<16xf32>,
      %get3A_351 = arith.index_cast %scan3A_283 : i32 to index
      %get3A_352 = arith.constant 144 : index
      %get3A_353 = tpu.vector_load %arg8[%get3A_351, %get3A_352] {strides = array<i32>} : memref<256x256xf32, #tpu.memory_space<vmem>>, vector<16xf32>,
      %mul3A_354 = arith.mulf %get3A_353, %gather3A : vector<16xf32>
      %swap3A_355 = arith.index_cast %scan3A_283 : i32 to index
      %swap3A_356 = arith.constant 144 : index
      %swap3A_357 = tpu.vector_load %arg8[%swap3A_355, %swap3A_356] {strides = array<i32>} : memref<256x256xf32, #tpu.memory_space<vmem>>, vector<16xf32>,
      tpu.vector_store %arg8[%swap3A_355, %swap3A_356], %mul3A_354 {strides = array<i32>} : memref<256x256xf32, #tpu.memory_space<vmem>>, vector<16xf32>,
      %get3A_358 = arith.index_cast %scan3A_283 : i32 to index
      %get3A_359 = arith.constant 160 : index
      %get3A_360 = tpu.vector_load %arg8[%get3A_358, %get3A_359] {strides = array<i32>} : memref<256x256xf32, #tpu.memory_space<vmem>>, vector<16xf32>,
      %mul3A_361 = arith.mulf %get3A_360, %gather3A : vector<16xf32>
      %swap3A_362 = arith.index_cast %scan3A_283 : i32 to index
      %swap3A_363 = arith.constant 160 : index
      %swap3A_364 = tpu.vector_load %arg8[%swap3A_362, %swap3A_363] {strides = array<i32>} : memref<256x256xf32, #tpu.memory_space<vmem>>, vector<16xf32>,
      tpu.vector_store %arg8[%swap3A_362, %swap3A_363], %mul3A_361 {strides = array<i32>} : memref<256x256xf32, #tpu.memory_space<vmem>>, vector<16xf32>,
      %get3A_365 = arith.index_cast %scan3A_283 : i32 to index
      %get3A_366 = arith.constant 176 : index
      %get3A_367 = tpu.vector_load %arg8[%get3A_365, %get3A_366] {strides = array<i32>} : memref<256x256xf32, #tpu.memory_space<vmem>>, vector<16xf32>,
      %mul3A_368 = arith.mulf %get3A_367, %gather3A : vector<16xf32>
      %swap3A_369 = arith.index_cast %scan3A_283 : i32 to index
      %swap3A_370 = arith.constant 176 : index
      %swap3A_371 = tpu.vector_load %arg8[%swap3A_369, %swap3A_370] {strides = array<i32>} : memref<256x256xf32, #tpu.memory_space<vmem>>, vector<16xf32>,
      tpu.vector_store %arg8[%swap3A_369, %swap3A_370], %mul3A_368 {strides = array<i32>} : memref<256x256xf32, #tpu.memory_space<vmem>>, vector<16xf32>,
      %get3A_372 = arith.index_cast %scan3A_283 : i32 to index
      %get3A_373 = arith.constant 192 : index
      %get3A_374 = tpu.vector_load %arg8[%get3A_372, %get3A_373] {strides = array<i32>} : memref<256x256xf32, #tpu.memory_space<vmem>>, vector<16xf32>,
      %mul3A_375 = arith.mulf %get3A_374, %gather3A : vector<16xf32>
      %swap3A_376 = arith.index_cast %scan3A_283 : i32 to index
      %swap3A_377 = arith.constant 192 : index
      %swap3A_378 = tpu.vector_load %arg8[%swap3A_376, %swap3A_377] {strides = array<i32>} : memref<256x256xf32, #tpu.memory_space<vmem>>, vector<16xf32>,
      tpu.vector_store %arg8[%swap3A_376, %swap3A_377], %mul3A_375 {strides = array<i32>} : memref<256x256xf32, #tpu.memory_space<vmem>>, vector<16xf32>,
      %get3A_379 = arith.index_cast %scan3A_283 : i32 to index
      %get3A_380 = arith.constant 208 : index
      %get3A_381 = tpu.vector_load %arg8[%get3A_379, %get3A_380] {strides = array<i32>} : memref<256x256xf32, #tpu.memory_space<vmem>>, vector<16xf32>,
      %mul3A_382 = arith.mulf %get3A_381, %gather3A : vector<16xf32>
      %swap3A_383 = arith.index_cast %scan3A_283 : i32 to index
      %swap3A_384 = arith.constant 208 : index
      %swap3A_385 = tpu.vector_load %arg8[%swap3A_383, %swap3A_384] {strides = array<i32>} : memref<256x256xf32, #tpu.memory_space<vmem>>, vector<16xf32>,
      tpu.vector_store %arg8[%swap3A_383, %swap3A_384], %mul3A_382 {strides = array<i32>} : memref<256x256xf32, #tpu.memory_space<vmem>>, vector<16xf32>,
      %get3A_386 = arith.index_cast %scan3A_283 : i32 to index
      %get3A_387 = arith.constant 224 : index
      %get3A_388 = tpu.vector_load %arg8[%get3A_386, %get3A_387] {strides = array<i32>} : memref<256x256xf32, #tpu.memory_space<vmem>>, vector<16xf32>,
      %mul3A_389 = arith.mulf %get3A_388, %gather3A : vector<16xf32>
      %swap3A_390 = arith.index_cast %scan3A_283 : i32 to index
      %swap3A_391 = arith.constant 224 : index
      %swap3A_392 = tpu.vector_load %arg8[%swap3A_390, %swap3A_391] {strides = array<i32>} : memref<256x256xf32, #tpu.memory_space<vmem>>, vector<16xf32>,
      tpu.vector_store %arg8[%swap3A_390, %swap3A_391], %mul3A_389 {strides = array<i32>} : memref<256x256xf32, #tpu.memory_space<vmem>>, vector<16xf32>,
      %get3A_393 = arith.index_cast %scan3A_283 : i32 to index
      %get3A_394 = arith.constant 240 : index
      %get3A_395 = tpu.vector_load %arg8[%get3A_393, %get3A_394] {strides = array<i32>} : memref<256x256xf32, #tpu.memory_space<vmem>>, vector<16xf32>,
      %mul3A_396 = arith.mulf %get3A_395, %gather3A : vector<16xf32>
      %swap3A_397 = arith.index_cast %scan3A_283 : i32 to index
      %swap3A_398 = arith.constant 240 : index
      %swap3A_399 = tpu.vector_load %arg8[%swap3A_397, %swap3A_398] {strides = array<i32>} : memref<256x256xf32, #tpu.memory_space<vmem>>, vector<16xf32>,
      tpu.vector_store %arg8[%swap3A_397, %swap3A_398], %mul3A_396 {strides = array<i32>} : memref<256x256xf32, #tpu.memory_space<vmem>>, vector<16xf32>,
    }
    %scan3A_282 = arith.constant 256 : i32
    "tpu.region"() ({
      %run_scoped3A = tpu.sem_alloc : memref<!tpu.dma_semaphore, #tpu.memory_space<semaphore_mem>>
      %dma_start3A_283 = arith.constant 0 : i32
      %dma_start3A_284 = tpu.memref_slice %arg4[%mul3A_2, %dma_start3A_283] : memref<8192x256xf32, #tpu.memory_space<hbm>> -> memref<256x256xf32, #tpu.memory_space<hbm>>
      %dma_start3A_285 = arith.constant 0 : i32
      %dma_start3A_286 = tpu.memref_slice %arg4[%mul3A_2, %dma_start3A_285] : memref<8192x256xf32, #tpu.memory_space<hbm>> -> memref<256x256xf32, #tpu.memory_space<hbm>>
      tpu.enqueue_dma source(%arg8 : memref<256x256xf32, #tpu.memory_space<vmem>>) target(%dma_start3A_286 : memref<256x256xf32, #tpu.memory_space<hbm>>) target_semaphore(%run_scoped3A : memref<!tpu.dma_semaphore, #tpu.memory_space<semaphore_mem>>)
      %dma_wait3A_287 = arith.constant 0 : i32
      %dma_wait3A_288 = tpu.memref_slice %arg4[%mul3A_2, %dma_wait3A_287] : memref<8192x256xf32, #tpu.memory_space<hbm>> -> memref<256x256xf32, #tpu.memory_space<hbm>>
      %dma_wait3A_289 = arith.constant 0 : i32
      %dma_wait3A_290 = tpu.memref_slice %arg4[%mul3A_2, %dma_wait3A_289] : memref<8192x256xf32, #tpu.memory_space<hbm>> -> memref<256x256xf32, #tpu.memory_space<hbm>>
      tpu.wait_dma2 semaphore(%run_scoped3A : memref<!tpu.dma_semaphore, #tpu.memory_space<semaphore_mem>>) src(%arg8 : memref<256x256xf32, #tpu.memory_space<vmem>>) dst(%dma_wait3A_290 : memref<256x256xf32, #tpu.memory_space<hbm>>)
      tpu.yield
    }) : () -> ()
    return
  }
}

module attributes {stable_mosaic.version = 14 : i64} {
  func.func @body(%arg0: i32, %arg1: memref<256x8192xf32, #tpu.memory_space<vmem>>, %arg2: memref<256x8192xf32, #tpu.memory_space<vmem>>) attributes {dimension_semantics = [#tpu.dimension_semantics<arbitrary>], iteration_bounds = array<i64: 32>, scalar_prefetch = 0 : i64, scratch_operands = 0 : i64, tpu.core_type = #tpu.core_type<tc>, window_params = [{transform_indices = @transform_0, window_bounds = array<i64: 256, 8192>}, {transform_indices = @transform_1, window_bounds = array<i64: 256, 8192>}]} {
    %get3A = arith.constant 0 : index
    %get3A_0 = arith.constant 0 : index
    %get3A_1 = vector.load %arg1[%get3A, %get3A_0] : memref<256x8192xf32, #tpu.memory_space<vmem>>, vector<256x8192xf32>
    %swap3A = arith.constant 0 : index
    %swap3A_2 = arith.constant 0 : index
    %swap3A_3 = vector.load %arg2[%swap3A, %swap3A_2] : memref<256x8192xf32, #tpu.memory_space<vmem>>, vector<256x8192xf32>
    tpu.vector_store %arg2[%swap3A, %swap3A_2], %get3A_1 {strides = array<i32>} : memref<256x8192xf32, #tpu.memory_space<vmem>>, vector<256x8192xf32>,
    return
  }
  func.func @transform_0(%arg0: i32) -> (i32, i32) {
    %c0_i32 = arith.constant 0 : i32
    %c0_i32_0 = arith.constant 0 : i32
    return %arg0, %c0_i32 : i32, i32
  }
  func.func @transform_1(%arg0: i32) -> (i32, i32) {
    %c0_i32 = arith.constant 0 : i32
    %c0_i32_0 = arith.constant 0 : i32
    return %arg0, %c0_i32 : i32, i32
  }
}

</mosaic_0001>

<sc_bundles>
// kernel: kernel.4.cloned.1.call-start
scs
__scs_entry_jumppad:
0x0: {  	(pc) =	sbr.rel $0x88, $3  }
0x1: {  	(tag) =	ssettag $0x0;
	lr =	simm.s32 $0x1  }
0x2: {  	[smem:$0x3F9E] =	sst lr;
	_ =	strace $0xD0000000  }
0x3: {  	_ = 	snop  }
0x4: {  	_ = 	snop  }
0x5: {  	_ = 	snop  }
0x6: {  	_ = 	snop  }
0x7: {  	_ = 	snop  }
__scs_overlays_trampoline_lowered:
0x8: {  	[smem:$0x3FAD] =	sst s0  }
0x9: {  	[smem:$0x3FAE] =	sst s1  }
0xa: {  	[smem:$0x3FAF] =	sst s2  }
0xb: {  	[smem:$0x3FB0] =	sst s3  }
0xc: {  	[smem:$0x3FB1] =	sst s4  }
0xd: {  	[smem:$0x3FB2] =	sst s5  }
0xe: {  	[smem:$0x3FB3] =	sst s6  }
0xf: {  	[smem:$0x3FB4] =	sst s7  }
0x10: {  	[smem:$0x3FB5] =	sst s8  }
0x11: {  	[smem:$0x3FB6] =	sst s9;
	s0 =	simm.s32 @!p0 $0x0  }
0x12: {  	s1 =	sld [smem:$0x3F9C];
	s0 =	simm.s32 @p0 $0x1  }
0x13: {  	[smem:$0x3FB7] =	sst s0;
	s0 =	simm.s32 @!p1 $0x0  }
0x14: {  	s2 =	sld [smem:$0x3F9B];
	s0 =	simm.s32 @p1 $0x1  }
0x15: {  	[smem:$0x3FB8] =	sst s0;
	s0 =	simm.s32 @!p2 $0x0  }
0x16: {  	s3 =	sld [smem:$0x3FDB];
	s0 =	simm.s32 @p2 $0x1  }
0x17: {  	s4 =	simm.s32 $0x1BF5;
	[smem:$0x3FBA] =	sst s0  }
0x18: {  	s0 =	sld [smem:$0x3F9D];
	_ =	swait.ge [sflag:s4], $0x0  }
0x19: {  	s7 =	sld [smem:$0x3F9E]  }
0x1a: {  	s8 =	sadd.s32 $0xFFFFE003, lr  }
0x1b: {  	s9 =	sadd.s32 $0xFFFFFEF7, lr;
	s5 =	simm.s32 $0xFFFFFFFF;
	p2 =	slt.u32 s8, $0xFFFFF086  }
0x1c: {  	p1 =	slt.u32 s9, $0xF7A;
	s5 =	simm.s32 @!p2 $0x0  }
0x1d: {  	s5 =	simm.s32 @p1 $0x1;
	p0 =	seq.s32 s7, s2  }
0x1e: {  	s7 =	smul.u32 @!p0 $0xF7A, s2;
	p2 =	seq.s32 @!p0 s5, $0x0  }
0x1f: {  	s9 =	smul.u32 $0xF7A, s1;
	s8 =	simm.s32 @!p0 $0x1BF5;
	p2 =	por !p2, p0  }
0x20: {  	[sflag:s8] =	ssyncset.s32 @!p0 $0xFFFFF086;
	s6 =	sadd.s32 @!p0 s3, s7;
	s7 =	simm.s32 @!p0 $0x108  }
0x21: {  	s3 =	sadd.s32 s3, s9;
	s6 =	sadd.s32 @!p0 $0x88, s6;
	s7 =	simm.s32 @p2 $0x1082  }
0x22: {  	[simem:s7], [sflag:s8] =	dma.local @!p0 [hbm:s6], $0xF7A  }
0x23: {  	s9 =	sor.u32 $0xD0000000, s2;
	s6 =	simm.s32 $0x108;
	_ =	swait.ge @!p0 [sflag:s8], $0x0  }
0x24: {  	s3 =	sadd.s32 $0x88, s3;
	s6 =	simm.s32 @!p1 $0x1082;
	[sflag:s4] =	ssyncset.s32 $0xFFFFF086  }
0x25: {  	[simem:s6], [sflag:s4] =	dma.local [hbm:s3], $0xF7A  }
0x26: {  	[smem:$0x3F9E] =	sst s1;
	(tag) =	ssettag s2;
	_ =	strace s9  }
0x27: {  	s1 =	sld [smem:$0x3FAE]  }
0x28: {  	s2 =	sld [smem:$0x3FAF]  }
0x29: {  	s4 =	sld [smem:$0x3FB1]  }
0x2a: {  	p0 =	seq.s32 s5, $0x0;
	s5 =	sld [smem:$0x3FB2]  }
0x2b: {  	s6 =	sld [smem:$0x3FB3]  }
0x2c: {  	s7 =	sld [smem:$0x3FB4]  }
0x2d: {  	s3 =	simm.s32 $0x108;
	s8 =	sld [smem:$0x3FB5]  }
0x2e: {  	s3 =	simm.s32 @!p0 $0x1082;
	s9 =	sld [smem:$0x3FB6]  }
0x2f: {  	lr =	sadd.s32 s0, s3;
	s0 =	sld [smem:$0x3FAD]  }
0x30: {  	s3 =	sld [smem:$0x3FB0]  }
0x31: {  	[smem:$0x3FB9] =	sst s10  }
0x32: {  	s10 =	sld [smem:$0x3FB7];
	_ =	sdelay $0x3  }
0x33: {  	p0 =	seq.s32 s10, $0x1;
	s10 =	sld [smem:$0x3FB9];
	_ =	sdelay $0x3  }
0x34: {  	[smem:$0x3FB9] =	sst s10  }
0x35: {  	s10 =	sld [smem:$0x3FB8];
	_ =	sdelay $0x3  }
0x36: {  	p1 =	seq.s32 s10, $0x1;
	s10 =	sld [smem:$0x3FB9];
	_ =	sdelay $0x3  }
0x37: {  	[smem:$0x3FB9] =	sst s10  }
0x38: {  	s10 =	sld [smem:$0x3FBA]  }
0x39: {  	_ = 	snop;
	(pc) =	sbr.ind lr, $3  }
0x3a: {  	_ = 	snop  }
0x3b: {  	_ = 	snop  }
0x3c: {  	p2 =	seq.s32 s10, $0x1;
	s10 =	sld [smem:$0x3FB9]  }
0x3d: {  	_ =	shalt  }
0x3e: {  	_ =	shalt  }
0x3f: {  	_ =	shalt  }
0x40: {  	_ =	shalt  }
0x41: {  	_ =	shalt  }
0x42: {  	_ =	shalt  }
0x43: {  	_ =	shalt  }
0x44: {  	_ =	shalt  }
0x45: {  	_ =	shalt  }
0x46: {  	_ =	shalt  }
0x47: {  	_ =	shalt  }
0x48: {  	_ =	shalt  }
0x49: {  	_ =	shalt  }
0x4a: {  	_ =	shalt  }
0x4b: {  	_ =	shalt  }
0x4c: {  	_ =	shalt  }
0x4d: {  	_ =	shalt  }
0x4e: {  	_ =	shalt  }
0x4f: {  	_ =	shalt  }
0x50: {  	_ =	shalt  }
0x51: {  	_ =	shalt  }
0x52: {  	_ =	shalt  }
0x53: {  	_ =	shalt  }
0x54: {  	_ =	shalt  }
0x55: {  	_ =	shalt  }
0x56: {  	_ =	shalt  }
0x57: {  	_ =	shalt  }
0x58: {  	_ =	shalt  }
0x59: {  	_ =	shalt  }
0x5a: {  	_ =	shalt  }
0x5b: {  	_ =	shalt  }
0x5c: {  	_ =	shalt  }
0x5d: {  	_ =	shalt  }
0x5e: {  	_ =	shalt  }
0x5f: {  	_ =	shalt  }
0x60: {  	_ =	shalt  }
0x61: {  	_ =	shalt  }
0x62: {  	_ =	shalt  }
0x63: {  	_ =	shalt  }
0x64: {  	_ =	shalt  }
0x65: {  	_ =	shalt  }
0x66: {  	_ =	shalt  }
0x67: {  	_ =	shalt  }
0x68: {  	_ =	shalt  }
0x69: {  	_ =	shalt  }
0x6a: {  	_ =	shalt  }
0x6b: {  	_ =	shalt  }
0x6c: {  	_ =	shalt  }
0x6d: {  	_ =	shalt  }
0x6e: {  	_ =	shalt  }
0x6f: {  	_ =	shalt  }
0x70: {  	_ =	shalt  }
0x71: {  	_ =	shalt  }
0x72: {  	_ =	shalt  }
0x73: {  	_ =	shalt  }
0x74: {  	_ =	shalt  }
0x75: {  	_ =	shalt  }
0x76: {  	_ =	shalt  }
0x77: {  	_ =	shalt  }
0x78: {  	_ =	shalt  }
0x79: {  	_ =	shalt  }
0x7a: {  	_ =	shalt  }
0x7b: {  	_ =	shalt  }
0x7c: {  	_ =	shalt  }
0x7d: {  	_ =	shalt  }
0x7e: {  	_ =	shalt  }
0x7f: {  	_ =	shalt  }
0x80: {  	_ =	shalt  }
0x81: {  	_ =	shalt  }
0x82: {  	_ =	shalt  }
0x83: {  	_ =	shalt  }
0x84: {  	_ =	shalt  }
0x85: {  	_ =	shalt  }
0x86: {  	_ =	shalt  }
0x87: {  	_ =	shalt  }
.Lfunc_end0:
.L_simem_size_0:
called_computation_lowered:
.L_overlay_start_0:
0x88: {  	s2 =	sld [smem:$0x3FD9]  }
0x89: {  	s3 =	sld [smem:$0x3FFE];
	_ =	sdelay $0x1  }
0x8a: {  	s1 =	srdreg.scid  }
0x8b: {  	s0 =	sand.u32 $0x1, s1  }
0x8c: {  	s15 =	sshll.u32 s0, $0xA;
	s2 =	sadd.s32 s3, s2  }
0x8d: {  	s2 =	sadd.s32 s2, s15  }
0x8e: {  	[smem:$0x3FC5] =	sst s2  }
0x8f: {  	_ = 	snop  }
0x90: {  	s2 =	sld [smem:$0x3FD0];
	_ =	sdelay $0x1  }
0x91: {  	s16 =	sld [smem:$0x3FC8]  }
0x92: {  	s5 =	simm.s32 $0xA;
	s6 =	simm.s32 $0x10;
	s4 =	sld [smem:$0x3FC7]  }
0x93: {  	[smem:s6], [sflag:s5] =	dma.local [hbm:s2], $0x1  }
0x94: {  	_ =	swait.eq [sflag:s5], $0x1  }
0x95: {  	[sflag:s5] =	ssyncset.done $0x0  }
0x96: {  	[sflag:s5] =	ssyncadd.s32 $0xFFFFFFFF  }
0x97: {  	s17 =	sld [smem:$0x11];
	(tm) =	ssettm $0x1  }
0x98: {  	s18 =	sld [smem:$0x3FFB];
	_ =	sdelay $0x3  }
0x99: {  	_ =	strace s18  }
0x9a: {  	s5 =	sld [smem:$0x3FFC];
	_ =	sdelay $0x3  }
0x9b: {  	_ =	strace s5  }
0x9c: {  	s5 =	sld [smem:$0x3FFD];
	_ =	sdelay $0x3  }
0x9d: {  	_ =	strace s5  }
0x9e: {  	_ =	strace $0x8FFFFFFF  }
0x9f: {  	s19 =	sld [smem:$0x3FDB];
	_ =	sdelay $0x1  }
0xa0: {  	s20 =	simm.s32 $_scs_section_size  }
0xa1: {  	s7 =	simm.s32 $_size__tile_overlayer_lowered;
	s8 =	simm.s32 $_tile_overlayer_lowered  }
0xa2: {  	s23 =	simm.s32 $0x1BFF;
	s22 =	sshll.u32 s8, $0x1;
	s5 =	sadd.s32 s20, s19  }
0xa3: {  	s9 =	simm.s32 $0x0;
	s21 =	sshll.u32 s7, $0x1;
	s7 =	sadd.s32 s22, s5  }
0xa4: {  	[timem:s9], [sflag:s23] =	dma.local [hbm:s7], s21  }
0xa5: {  	_ =	swait.ge [sflag:s23], s21  }
0xa6: {  	s6 =	ssub.s32 $0x0, s21;
	[sflag:s23] =	ssyncset.done $0x0  }
0xa7: {  	[sflag:s23] =	ssyncadd.s32 s6;
	_ =	sdelay $0x1  }
0xa8: {  	s24 =	simm.s32 $0x1B8B  }
0xa9: {  	_ =	swait.ge [sflag:s24], $0x1  }
0xaa: {  	[sflag:s24] =	ssyncset.done $0x0  }
0xab: {  	s25 =	simm.s32 $0x1B8E;
	[sflag:s24] =	ssyncadd.s32 $0xFFFFFFFF  }
0xac: {  	s26 =	simm.s32 $execute0_lowered;
	[smem:$0x3FD2] =	sst s25  }
0xad: {  	s6 =	sshll.u32 s26, $0x1;
	_ =	strace $0x80000046;
	[dreg:$0x1] =	wrdreg $0xFFFFFFFF  }
0xae: {  	s28 =	simm.s32 $_size_execute0_lowered;
	s5 =	sadd.s32 s5, s6;
	[dreg:$0x0] =	wrdreg $0x0  }
0xaf: {  	s6 =	sshll.u32 s28, $0x1;
	[dreg:$0x2] =	wrdreg s5  }
0xb0: {  	[dreg:$0x3] =	wrdreg s6  }
0xb1: {  	[dreg:$0x4] =	wrdreg $0xC0  }
0xb2: {  	_ =	task [dreg:s9], $0x5FFFF  }
0xb3: {  	[dreg:$0x1] =	wrdreg $0xFFFFFFFF  }
0xb4: {  	[dreg:$0x0] =	wrdreg $0x60  }
0xb5: {  	[dreg:$0x2] =	wrdreg s16  }
0xb6: {  	[dreg:$0x3] =	wrdreg s4  }
0xb7: {  	[dreg:$0x4] =	wrdreg s17  }
0xb8: {  	[dreg:$0x5] =	wrdreg $0x9  }
0xb9: {  	_ =	task.clear_ibuf [dreg:s9], $0x6FFFF;
	_ =	strace $0x90000046  }
0xba: {  	s29 =	simm.s32 $0x9;
	_ =	strace $0x80000048  }
0xbb: {  	_ =	swait.ge [sflag:s29], $0x1  }
0xbc: {  	[sflag:s29] =	ssyncadd.s32 $0xFFFFFFFF  }
0xbd: {  	_ =	strace $0x90000048  }
0xbe: {  	_ =	sfence  }
0xbf: {  	s30 =	sld [smem:$0x0];
	_ =	sdelay $0x2  }
0xc0: {  	s31 =	sshll.u32 s1, $0xD;
	s1 =	sshrl.u32 s1, $0x2  }
0xc1: {  	s3 =	sand.u32 $0x4000, s31;
	s1 =	sadd.s32 s1, s30  }
0xc2: {  	s0 =	sor.u32 s3, s0;
	s1 =	sshll.u32 s1, $0x11  }
0xc3: {  	s0 =	sor.u32 s1, s0  }
0xc4: {  	s0 =	sadd.s32 $0x8F2B, s0  }
0xc5: {  	[sflag:s0] =	ssyncadd.remote.s32 $0x1  }
0xc6: {  	_ =	sfence.sel $0xFFFF  }
0xc7: {  	[dreg:$0x0] =	wrdreg $0xFFFFFFFF;
	(pc) =	sbr.abs _section_cstart, $3  }
0xc8: {  	[dreg:$0x1] =	wrdreg $0xFFFFFFFF  }
0xc9: {  	_ =	task.clear_ibuf [dreg:s9], $0x2FFFF;
	_ =	strace $0x9FFFFFFF  }
0xca: {  	(tm) =	ssettm $0x7FFFFFFF  }
0xcb: {  	_ =	shalt  }
tec
execute0_lowered:
.L_overlay_start_1:
0x0: {  	(tag) =	ssettag $0x1  }
0x1: {  	v0 =	vimm.s32 $0x8000000E;
	vm0 =	vcmask $0x300  }
0x2: {  	s2 =	srdreg.scid;
	v0 =	vsel vm0, $0x8000000F, v0;
	vm0 =	vcmask $0x704  }
0x3: {  	s5 =	stileid.u32;
	v16 =	vimm.f32 $0.0e+00;
	s2 =	sand.u32 $0x1, s2;
	v0 =	vsel vm0, $0x80000000, v0;
	vm0 =	vcmask $0xB08  }
0x4: {  	v21 =	vimm.f32 $1.000000000e+00;
	s5 =	sshll.u32 s5, $0x9;
	s4 =	ssub.s32 $0x2, s2;
	s2 =	sshll.u32 s2, $0x8;
	v0 =	vsel vm0, $0x80000001, v0;
	vm0 =	vcmask $0xF0C  }
0x5: {  	vm1 =	vmmov $0xffff;
	s2 =	sor.u32 s2, s5;
	v0 =	vsel vm0, $0x80000002, v0;
	vm0 =	vcmask $0x1310  }
0x6: {  	s11 =	sadd.s32 $0x100, s2;
	v8 =	vmov s2;
	v0 =	vsel vm0, $0x80000003, v0;
	vm0 =	vcmask $0x1714  }
0x7: {  	v12 =	vmov s11;
	v0 =	vsel vm0, $0x80000004, v0;
	vm0 =	vcmask $0x1B18  }
0x8: {  	v1 =	vsel vm0, $0x80000005, v0;
	vm0 =	vcmask $0x1F1C;
	v0 =	vlaneseq.u32  }
0x9: {  	v2 =	vsel vm0, $0x80000006, v1;
	vm0 =	vcmask $0x2320;
	v1 =	vmul.u32 $0x10, v0  }
0xa: {  	s0 =	rddreg [dreg:$0x0];
	v22 =	vand.u32 $0x7, v0;
	v23 =	vshrl.u32 v0, $0x3;
	v24 =	vor.u32 $0x8, v0  }
0xb: {  	s1 =	rddreg [dreg:$0x2];
	s3 =	simm.s32 $0x0;
	s8 =	simm.s32 $0x1000;
	v2 =	vsel vm0, $0x80000007, v2;
	vm0 =	vcmask $0x2724;
	v23 =	vmul.u32 $0x8, v23  }
0xc: {  	s7 =	simm.s32 $0x2;
	s9 =	simm.s32 $0x1100;
	s10 =	simm.s32 $0x1200;
	v3 =	vsel vm0, $0x80000008, v2;
	vm0 =	vcmask $0x2B28;
	v2 =	vor.u32 $0x100, v1  }
0xd: {  	s28 =	simm.s32 $0x9A00;
	s29 =	simm.s32 $0xA200;
	s30 =	simm.s32 $0xAA00;
	v4 =	vor.u32 $0x300, v1;
	v5 =	vor.u32 $0x400, v1;
	v7 =	vor.u32 $0x600, v1  }
0xe: {  	s31 =	simm.s32 $0xB200;
	s12 =	simm.s32 $0xDA00;
	s13 =	simm.s32 $0xE200;
	v9 =	vor.u32 $0x700, v1;
	v11 =	vor.u32 $0x900, v1;
	v13 =	vor.u32 $0xA00, v1  }
0xf: {  	s14 =	simm.s32 $0xEA00;
	s15 =	simm.s32 $0xF200;
	s16 =	simm.s32 $0xFA00;
	v15 =	vor.u32 $0xC00, v1;
	v17 =	vor.u32 $0xD00, v1;
	v19 =	vor.u32 $0xE00, v1  }
0x10: {  	s17 =	simm.s32 $0x10200;
	s18 =	simm.s32 $0x10A00;
	s19 =	simm.s32 $0x1;
	v20 =	vor.u32 $0xF00, v1;
	v6 =	vsel vm0, $0x80000009, v3;
	vm0 =	vcmask $0x2F2C  }
0x11: {  	s20 =	simm.s32 $0x0;
	[smem:$0x7FF] =	sst s3;
	s6 =	sshrl.u32 s4, $0x1;
	v3 =	vor.u32 $0x200, v1;
	v10 =	vsel vm0, $0x8000000A, v6;
	vm0 =	vcmask $0x3330  }
0x12: {  	_ =	strace $0x80000047;
	s4 =	ssub.s32 s4, s6;
	s5 =	sshll.u32 s2, $0x5;
	v6 =	vor.u32 $0x500, v1;
	v14 =	vsel vm0, $0x8000000B, v10;
	vm0 =	vcmask $0x3734  }
0x13: {  	s2 =	simm.s32 $0xCA00;
	s5 =	sadd.s32 s1, s5;
	s1 =	simm.s32 $0xBA00;
	v10 =	vor.u32 $0x800, v1;
	v18 =	vsel vm0, $0x8000000C, v14;
	vm0 =	vcmask $0x3B38  }
0x14: {  	s6 =	smax.u32 s4, $0x1;
	s4 =	simm.s32 $0xC200;
	s11 =	simm.s32 $0xD200;
	v14 =	vor.u32 $0xB00, v1;
	v18 =	vsel vm0, $0x8000000D, v18;
	vm0 =	vcmask $0x3F3C  }
.LBB2_1:
0x15: {  	s21 =	rddreg [dreg:$0x1]  }
0x16: {  	[tilespmem:s3], [sflag:$0x2] =	stream.linear.gather [hbm4b:s21+s3], $0x1000, $0x38;
	[tilespmem:$0x11200] =	vst v63  }
0x17: {  	_ =	swait.ge [sflag:s7], $0x1000  }
0x18: {  	[sflag:s7] =	ssyncset.done $0x0  }
0x19: {  	[sflag:s7] =	ssyncadd.s32 $0xFFFFF000  }
0x1a: {  	[tilespmem:$0x1000] =	vst v1  }
0x1b: {  	[tilespmem:$0x1100] =	vst v16  }
0x1c: {  	[tilespmem:$0x1010] =	vst v2  }
0x1d: {  	[tilespmem:$0x1110] =	vst v16  }
0x1e: {  	[tilespmem:$0x1020] =	vst v3  }
0x1f: {  	[tilespmem:$0x1120] =	vst v16  }
0x20: {  	[tilespmem:$0x1030] =	vst v4  }
0x21: {  	[tilespmem:$0x1130] =	vst v16  }
0x22: {  	[tilespmem:$0x1040] =	vst v5  }
0x23: {  	[tilespmem:$0x1140] =	vst v16  }
0x24: {  	[tilespmem:$0x1050] =	vst v6  }
0x25: {  	[tilespmem:$0x1150] =	vst v16  }
0x26: {  	[tilespmem:$0x1060] =	vst v7  }
0x27: {  	[tilespmem:$0x1160] =	vst v16  }
0x28: {  	[tilespmem:$0x1070] =	vst v9  }
0x29: {  	[tilespmem:$0x1170] =	vst v16  }
0x2a: {  	[tilespmem:$0x1080] =	vst v10  }
0x2b: {  	[tilespmem:$0x1180] =	vst v16  }
0x2c: {  	[tilespmem:$0x1090] =	vst v11  }
0x2d: {  	[tilespmem:$0x1190] =	vst v16  }
0x2e: {  	[tilespmem:$0x10A0] =	vst v13  }
0x2f: {  	[tilespmem:$0x11A0] =	vst v16  }
0x30: {  	[tilespmem:$0x10B0] =	vst v14  }
0x31: {  	[tilespmem:$0x11B0] =	vst v16  }
0x32: {  	[tilespmem:$0x10C0] =	vst v15  }
0x33: {  	[tilespmem:$0x11C0] =	vst v16  }
0x34: {  	[tilespmem:$0x10D0] =	vst v17  }
0x35: {  	[tilespmem:$0x11D0] =	vst v16  }
0x36: {  	[tilespmem:$0x10E0] =	vst v19  }
0x37: {  	[tilespmem:$0x11E0] =	vst v16  }
0x38: {  	[tilespmem:$0x10F0] =	vst v20  }
0x39: {  	[tilespmem:$0x11F0] =	vst v16  }
0x3a: {  	v25 =	vld [tilespmem:s3+$0x0]  }
0x3b: {  	s22 =	simm.s32 $0x10;
	s23 =	simm.s32 $0x0;
	s21 =	simm.s32 $0x0  }
.LBB2_2:
0x3c: {  	p0 =	sne.s32 s22, $0xFF0;
	_ =	sdelay $0x2  }
0x3d: {  	v25 =	vshll.u32 v25, $0xC  }
0x3e: {  	v25 =	vadd.s32 s21, v25;
	s21 =	smov.u32 s22  }
0x3f: {  	v25 =	vadd.s32 v0, v25  }
0x40: {  	(xrf1) =	vsort.ascd.msk.u32 $0xffff, v25, v25;
	_ =	sdelay $0xd  }
0x41: {  	v25, _, _ =	vpop (xrf1)  }
0x42: {  	(xrf1) =	vsort.ascd.msk.u32 $0xffff, v18, v25;
	_ =	sdelay $0xd  }
0x43: {  	_, v26, _ =	vpop (xrf1)  }
0x44: {  	v27 =	vshra.s32 v25, $0xC;
	v26 =	vshra.s32 v26, $0xC  }
0x45: {  	vm2 =	vne.s32 v27, v26  }
0x46: {  	vm3 =	vge.s32 v27, v8;
	v26 =	vsub.s32 v27, v8;
	vm2 =	vmor vm2, vm0  }
0x47: {  	vm4 =	vgt.s32 v26, $0x0;
	vm2 =	vmand vm3, vm2;
	vm3 =	vlt.s32 v27, v12  }
0x48: {  	v26 =	vnsel vm4, $0x0, v26;
	vm2 =	vmand vm3, vm2  }
0x49: {  	v26 =	vmin.u32 v26, $0xFF;
	_ =	sdelay $0x3  }
.Ltmp0:
0x4a: {  	v25 =	vand.u32 $0xFFF, v25;
	(pc) =	sbr.rel @p0 .LBB2_2-.Ltmp0, $4  }
0x4b: {  	[tilespmem:v26+s8+$0x0] =	vst.idx.msk vm2, v25  }
0x4c: {  	s23 =	sadd.s32 $0x10, s23;
	[tilespmem:v26+s9+$0x0] =	vst.idx.msk vm2, v21  }
0x4d: {  	v25 =	vld [tilespmem:s23+$0x0]  }
0x4e: {  	s22 =	sadd.s32 $0x10, s22  }
0x4f: {  	_ =	sdelay $0x2  }
0x50: {  	v25 =	vshll.u32 v25, $0xC  }
0x51: {  	v25 =	vadd.s32 s21, v25  }
0x52: {  	v25 =	vadd.s32 v0, v25  }
0x53: {  	(xrf1) =	vsort.ascd.msk.u32 $0xffff, v25, v25;
	_ =	sdelay $0xd  }
0x54: {  	v25, _, _ =	vpop (xrf1)  }
0x55: {  	(xrf1) =	vsort.ascd.msk.u32 $0xffff, v18, v25;
	_ =	sdelay $0xd  }
0x56: {  	_, v26, _ =	vpop (xrf1)  }
0x57: {  	v27 =	vshra.s32 v25, $0xC;
	v26 =	vshra.s32 v26, $0xC  }
0x58: {  	vm2 =	vne.s32 v27, v26  }
0x59: {  	vm3 =	vge.s32 v27, v8;
	v26 =	vsub.s32 v27, v8;
	vm2 =	vmor vm2, vm0  }
0x5a: {  	vm4 =	vgt.s32 v26, $0x0;
	vm2 =	vmand vm3, vm2;
	vm3 =	vlt.s32 v27, v12  }
0x5b: {  	v26 =	vnsel vm4, $0x0, v26;
	vm2 =	vmand vm3, vm2  }
0x5c: {  	v26 =	vmin.u32 v26, $0xFF;
	_ =	sdelay $0x3  }
0x5d: {  	v25 =	vand.u32 $0xFFF, v25  }
0x5e: {  	[tilespmem:v26+s8+$0x0] =	vst.idx.msk vm2, v25  }
0x5f: {  	[tilespmem:v26+s9+$0x0] =	vst.idx.msk vm2, v21  }
0x60: {  	v25 =	vld [tilespmem:$0x1000];
	_ =	sdelay $0x4  }
0x61: {  	v26 =	vshll.u32 v25, $0x1  }
0x62: {  	v25 =	vand.u32 $0x7, v25;
	v26 =	vand.u32 $0xFFFFFFF0, v26  }
0x63: {  	v25 =	vor.u32 v25, v26  }
0x64: {  	v26 =	vperm.xlane v25, v22;
	_ =	sdelay $0x1  }
0x65: {  	v25 =	vperm.xlane v25, v24;
	v26 =	vadd.s32 v23, v26;
	_ =	sdelay $0x1  }
0x66: {  	v25 =	vadd.s32 v23, v25;
	_ =	sdelay $0x1  }
0x67: {  	s21 =	simm.s32 $0x0  }
0x68: {  	[tilespmem:s10], [sflag:$0x1] =	stream.indirect_vreg.gather [hbm4b:s0+s21], $0x80, v26, vm1, $0xb8;
	[tilespmem:$0x11200] =	vst v63  }
0x69: {  	s22 =	simm.s32 $0x1A00  }
0x6a: {  	[tilespmem:s22], [sflag:$0x1] =	stream.indirect_vreg.gather [hbm4b:s0+s21], $0x80, v25, vm1, $0xb8;
	[tilespmem:$0x11200] =	vst v63  }
0x6b: {  	v25 =	vld [tilespmem:$0x1010];
	_ =	sdelay $0x4  }
0x6c: {  	v26 =	vshll.u32 v25, $0x1  }
0x6d: {  	v25 =	vand.u32 $0x7, v25;
	v26 =	vand.u32 $0xFFFFFFF0, v26  }
0x6e: {  	v25 =	vor.u32 v25, v26  }
0x6f: {  	v26 =	vperm.xlane v25, v22;
	_ =	sdelay $0x1  }
0x70: {  	v25 =	vperm.xlane v25, v24;
	v26 =	vadd.s32 v23, v26;
	_ =	sdelay $0x1  }
0x71: {  	v25 =	vadd.s32 v23, v25;
	_ =	sdelay $0x1  }
0x72: {  	s23 =	simm.s32 $0x2200  }
0x73: {  	[tilespmem:s23], [sflag:$0x1] =	stream.indirect_vreg.gather [hbm4b:s0+s21], $0x80, v26, vm1, $0xb8;
	[tilespmem:$0x11200] =	vst v63  }
0x74: {  	s24 =	simm.s32 $0x2A00  }
0x75: {  	[tilespmem:s24], [sflag:$0x1] =	stream.indirect_vreg.gather [hbm4b:s0+s21], $0x80, v25, vm1, $0xb8;
	[tilespmem:$0x11200] =	vst v63  }
0x76: {  	v25 =	vld [tilespmem:$0x1020];
	_ =	sdelay $0x4  }
0x77: {  	v26 =	vshll.u32 v25, $0x1  }
0x78: {  	v25 =	vand.u32 $0x7, v25;
	v26 =	vand.u32 $0xFFFFFFF0, v26  }
0x79: {  	v25 =	vor.u32 v25, v26  }
0x7a: {  	v26 =	vperm.xlane v25, v22;
	_ =	sdelay $0x1  }
0x7b: {  	v25 =	vperm.xlane v25, v24;
	v26 =	vadd.s32 v23, v26;
	_ =	sdelay $0x1  }
0x7c: {  	v25 =	vadd.s32 v23, v25;
	_ =	sdelay $0x1  }
0x7d: {  	s25 =	simm.s32 $0x3200  }
0x7e: {  	[tilespmem:s25], [sflag:$0x1] =	stream.indirect_vreg.gather [hbm4b:s0+s21], $0x80, v26, vm1, $0xb8;
	[tilespmem:$0x11200] =	vst v63  }
0x7f: {  	s26 =	simm.s32 $0x3A00  }
0x80: {  	[tilespmem:s26], [sflag:$0x1] =	stream.indirect_vreg.gather [hbm4b:s0+s21], $0x80, v25, vm1, $0xb8;
	[tilespmem:$0x11200] =	vst v63  }
0x81: {  	v25 =	vld [tilespmem:$0x1030];
	_ =	sdelay $0x4  }
0x82: {  	v26 =	vshll.u32 v25, $0x1  }
0x83: {  	v25 =	vand.u32 $0x7, v25;
	v26 =	vand.u32 $0xFFFFFFF0, v26  }
0x84: {  	v25 =	vor.u32 v25, v26  }
0x85: {  	v26 =	vperm.xlane v25, v22;
	_ =	sdelay $0x1  }
0x86: {  	v25 =	vperm.xlane v25, v24;
	v26 =	vadd.s32 v23, v26;
	_ =	sdelay $0x1  }
0x87: {  	v25 =	vadd.s32 v23, v25;
	_ =	sdelay $0x1  }
0x88: {  	s23 =	simm.s32 $0x4200  }
0x89: {  	[tilespmem:s23], [sflag:$0x1] =	stream.indirect_vreg.gather [hbm4b:s0+s21], $0x80, v26, vm1, $0xb8;
	[tilespmem:$0x11200] =	vst v63  }
0x8a: {  	s24 =	simm.s32 $0x4A00  }
0x8b: {  	[tilespmem:s24], [sflag:$0x1] =	stream.indirect_vreg.gather [hbm4b:s0+s21], $0x80, v25, vm1, $0xb8;
	[tilespmem:$0x11200] =	vst v63  }
0x8c: {  	v25 =	vld [tilespmem:$0x1040];
	_ =	sdelay $0x4  }
0x8d: {  	v26 =	vshll.u32 v25, $0x1  }
0x8e: {  	v25 =	vand.u32 $0x7, v25;
	v26 =	vand.u32 $0xFFFFFFF0, v26  }
0x8f: {  	v25 =	vor.u32 v25, v26  }
0x90: {  	v26 =	vperm.xlane v25, v22;
	_ =	sdelay $0x1  }
0x91: {  	v25 =	vperm.xlane v25, v24;
	v26 =	vadd.s32 v23, v26;
	_ =	sdelay $0x1  }
0x92: {  	v25 =	vadd.s32 v23, v25;
	_ =	sdelay $0x1  }
0x93: {  	s25 =	simm.s32 $0x5200  }
0x94: {  	[tilespmem:s25], [sflag:$0x1] =	stream.indirect_vreg.gather [hbm4b:s0+s21], $0x80, v26, vm1, $0xb8;
	[tilespmem:$0x11200] =	vst v63  }
0x95: {  	s26 =	simm.s32 $0x5A00  }
0x96: {  	[tilespmem:s26], [sflag:$0x1] =	stream.indirect_vreg.gather [hbm4b:s0+s21], $0x80, v25, vm1, $0xb8;
	[tilespmem:$0x11200] =	vst v63  }
0x97: {  	v25 =	vld [tilespmem:$0x1050];
	_ =	sdelay $0x4  }
0x98: {  	v26 =	vshll.u32 v25, $0x1  }
0x99: {  	v25 =	vand.u32 $0x7, v25;
	v26 =	vand.u32 $0xFFFFFFF0, v26  }
0x9a: {  	v25 =	vor.u32 v25, v26  }
0x9b: {  	v26 =	vperm.xlane v25, v22;
	_ =	sdelay $0x1  }
0x9c: {  	v25 =	vperm.xlane v25, v24;
	v26 =	vadd.s32 v23, v26;
	_ =	sdelay $0x1  }
0x9d: {  	v25 =	vadd.s32 v23, v25;
	_ =	sdelay $0x1  }
0x9e: {  	s23 =	simm.s32 $0x6200  }
0x9f: {  	[tilespmem:s23], [sflag:$0x1] =	stream.indirect_vreg.gather [hbm4b:s0+s21], $0x80, v26, vm1, $0xb8;
	[tilespmem:$0x11200] =	vst v63  }
0xa0: {  	s24 =	simm.s32 $0x6A00  }
0xa1: {  	[tilespmem:s24], [sflag:$0x1] =	stream.indirect_vreg.gather [hbm4b:s0+s21], $0x80, v25, vm1, $0xb8;
	[tilespmem:$0x11200] =	vst v63  }
0xa2: {  	v25 =	vld [tilespmem:$0x1060];
	_ =	sdelay $0x4  }
0xa3: {  	v26 =	vshll.u32 v25, $0x1  }
0xa4: {  	v25 =	vand.u32 $0x7, v25;
	v26 =	vand.u32 $0xFFFFFFF0, v26  }
0xa5: {  	v25 =	vor.u32 v25, v26  }
0xa6: {  	v26 =	vperm.xlane v25, v22;
	_ =	sdelay $0x1  }
0xa7: {  	v25 =	vperm.xlane v25, v24;
	v26 =	vadd.s32 v23, v26;
	_ =	sdelay $0x1  }
0xa8: {  	v25 =	vadd.s32 v23, v25;
	_ =	sdelay $0x1  }
0xa9: {  	s25 =	simm.s32 $0x7200  }
0xaa: {  	[tilespmem:s25], [sflag:$0x1] =	stream.indirect_vreg.gather [hbm4b:s0+s21], $0x80, v26, vm1, $0xb8;
	[tilespmem:$0x11200] =	vst v63  }
0xab: {  	s26 =	simm.s32 $0x7A00  }
0xac: {  	[tilespmem:s26], [sflag:$0x1] =	stream.indirect_vreg.gather [hbm4b:s0+s21], $0x80, v25, vm1, $0xb8;
	[tilespmem:$0x11200] =	vst v63  }
0xad: {  	v25 =	vld [tilespmem:$0x1070];
	_ =	sdelay $0x4  }
0xae: {  	v26 =	vshll.u32 v25, $0x1  }
0xaf: {  	v25 =	vand.u32 $0x7, v25;
	v26 =	vand.u32 $0xFFFFFFF0, v26  }
0xb0: {  	v25 =	vor.u32 v25, v26  }
0xb1: {  	v26 =	vperm.xlane v25, v22;
	_ =	sdelay $0x1  }
0xb2: {  	v25 =	vperm.xlane v25, v24;
	v26 =	vadd.s32 v23, v26;
	_ =	sdelay $0x1  }
0xb3: {  	v25 =	vadd.s32 v23, v25;
	_ =	sdelay $0x1  }
0xb4: {  	s23 =	simm.s32 $0x8200  }
0xb5: {  	[tilespmem:s23], [sflag:$0x1] =	stream.indirect_vreg.gather [hbm4b:s0+s21], $0x80, v26, vm1, $0xb8;
	[tilespmem:$0x11200] =	vst v63  }
0xb6: {  	s24 =	simm.s32 $0x8A00  }
0xb7: {  	[tilespmem:s24], [sflag:$0x1] =	stream.indirect_vreg.gather [hbm4b:s0+s21], $0x80, v25, vm1, $0xb8;
	[tilespmem:$0x11200] =	vst v63  }
0xb8: {  	v25 =	vld [tilespmem:$0x1080];
	_ =	sdelay $0x4  }
0xb9: {  	v26 =	vshll.u32 v25, $0x1  }
0xba: {  	v25 =	vand.u32 $0x7, v25;
	v26 =	vand.u32 $0xFFFFFFF0, v26  }
0xbb: {  	v25 =	vor.u32 v25, v26  }
0xbc: {  	v26 =	vperm.xlane v25, v22;
	_ =	sdelay $0x1  }
0xbd: {  	v25 =	vperm.xlane v25, v24;
	v26 =	vadd.s32 v23, v26;
	_ =	sdelay $0x1  }
0xbe: {  	v25 =	vadd.s32 v23, v25;
	_ =	sdelay $0x1  }
0xbf: {  	s25 =	simm.s32 $0x9200  }
0xc0: {  	[tilespmem:s25], [sflag:$0x1] =	stream.indirect_vreg.gather [hbm4b:s0+s21], $0x80, v26, vm1, $0xb8;
	[tilespmem:$0x11200] =	vst v63  }
0xc1: {  	_ = 	snop  }
0xc2: {  	[tilespmem:s28], [sflag:$0x1] =	stream.indirect_vreg.gather [hbm4b:s0+s21], $0x80, v25, vm1, $0xb8;
	[tilespmem:$0x11200] =	vst v63  }
0xc3: {  	v25 =	vld [tilespmem:$0x1090];
	_ =	sdelay $0x4  }
0xc4: {  	v26 =	vshll.u32 v25, $0x1  }
0xc5: {  	v25 =	vand.u32 $0x7, v25;
	v26 =	vand.u32 $0xFFFFFFF0, v26  }
0xc6: {  	v25 =	vor.u32 v25, v26  }
0xc7: {  	v26 =	vperm.xlane v25, v22;
	_ =	sdelay $0x1  }
0xc8: {  	v25 =	vperm.xlane v25, v24;
	v26 =	vadd.s32 v23, v26;
	_ =	sdelay $0x1  }
0xc9: {  	v25 =	vadd.s32 v23, v25;
	_ =	sdelay $0x2  }
0xca: {  	[tilespmem:s29], [sflag:$0x1] =	stream.indirect_vreg.gather [hbm4b:s0+s21], $0x80, v26, vm1, $0xb8;
	[tilespmem:$0x11200] =	vst v63  }
0xcb: {  	_ = 	snop  }
0xcc: {  	[tilespmem:s30], [sflag:$0x1] =	stream.indirect_vreg.gather [hbm4b:s0+s21], $0x80, v25, vm1, $0xb8;
	[tilespmem:$0x11200] =	vst v63  }
0xcd: {  	v25 =	vld [tilespmem:$0x10A0];
	_ =	sdelay $0x4  }
0xce: {  	v26 =	vshll.u32 v25, $0x1  }
0xcf: {  	v25 =	vand.u32 $0x7, v25;
	v26 =	vand.u32 $0xFFFFFFF0, v26  }
0xd0: {  	v25 =	vor.u32 v25, v26  }
0xd1: {  	v26 =	vperm.xlane v25, v22;
	_ =	sdelay $0x1  }
0xd2: {  	v25 =	vperm.xlane v25, v24;
	v26 =	vadd.s32 v23, v26;
	_ =	sdelay $0x1  }
0xd3: {  	v25 =	vadd.s32 v23, v25;
	_ =	sdelay $0x2  }
0xd4: {  	[tilespmem:s31], [sflag:$0x1] =	stream.indirect_vreg.gather [hbm4b:s0+s21], $0x80, v26, vm1, $0xb8;
	[tilespmem:$0x11200] =	vst v63  }
0xd5: {  	_ = 	snop  }
0xd6: {  	[tilespmem:s1], [sflag:$0x1] =	stream.indirect_vreg.gather [hbm4b:s0+s21], $0x80, v25, vm1, $0xb8;
	[tilespmem:$0x11200] =	vst v63  }
0xd7: {  	v25 =	vld [tilespmem:$0x10B0];
	_ =	sdelay $0x4  }
0xd8: {  	v26 =	vshll.u32 v25, $0x1  }
0xd9: {  	v25 =	vand.u32 $0x7, v25;
	v26 =	vand.u32 $0xFFFFFFF0, v26  }
0xda: {  	v25 =	vor.u32 v25, v26  }
0xdb: {  	v26 =	vperm.xlane v25, v22;
	_ =	sdelay $0x1  }
0xdc: {  	v25 =	vperm.xlane v25, v24;
	v26 =	vadd.s32 v23, v26;
	_ =	sdelay $0x1  }
0xdd: {  	v25 =	vadd.s32 v23, v25;
	_ =	sdelay $0x2  }
0xde: {  	[tilespmem:s4], [sflag:$0x1] =	stream.indirect_vreg.gather [hbm4b:s0+s21], $0x80, v26, vm1, $0xb8;
	[tilespmem:$0x11200] =	vst v63  }
0xdf: {  	_ = 	snop  }
0xe0: {  	[tilespmem:s2], [sflag:$0x1] =	stream.indirect_vreg.gather [hbm4b:s0+s21], $0x80, v25, vm1, $0xb8;
	[tilespmem:$0x11200] =	vst v63  }
0xe1: {  	v25 =	vld [tilespmem:$0x10C0];
	_ =	sdelay $0x4  }
0xe2: {  	v26 =	vshll.u32 v25, $0x1  }
0xe3: {  	v25 =	vand.u32 $0x7, v25;
	v26 =	vand.u32 $0xFFFFFFF0, v26  }
0xe4: {  	v25 =	vor.u32 v25, v26  }
0xe5: {  	v26 =	vperm.xlane v25, v22;
	_ =	sdelay $0x1  }
0xe6: {  	v25 =	vperm.xlane v25, v24;
	v26 =	vadd.s32 v23, v26;
	_ =	sdelay $0x1  }
0xe7: {  	v25 =	vadd.s32 v23, v25;
	_ =	sdelay $0x2  }
0xe8: {  	[tilespmem:s11], [sflag:$0x1] =	stream.indirect_vreg.gather [hbm4b:s0+s21], $0x80, v26, vm1, $0xb8;
	[tilespmem:$0x11200] =	vst v63  }
0xe9: {  	_ = 	snop  }
0xea: {  	[tilespmem:s12], [sflag:$0x1] =	stream.indirect_vreg.gather [hbm4b:s0+s21], $0x80, v25, vm1, $0xb8;
	[tilespmem:$0x11200] =	vst v63  }
0xeb: {  	v25 =	vld [tilespmem:$0x10D0];
	_ =	sdelay $0x4  }
0xec: {  	v26 =	vshll.u32 v25, $0x1  }
0xed: {  	v25 =	vand.u32 $0x7, v25;
	v26 =	vand.u32 $0xFFFFFFF0, v26  }
0xee: {  	v25 =	vor.u32 v25, v26  }
0xef: {  	v26 =	vperm.xlane v25, v22;
	_ =	sdelay $0x1  }
0xf0: {  	v25 =	vperm.xlane v25, v24;
	v26 =	vadd.s32 v23, v26;
	_ =	sdelay $0x1  }
0xf1: {  	v25 =	vadd.s32 v23, v25;
	_ =	sdelay $0x2  }
0xf2: {  	[tilespmem:s13], [sflag:$0x1] =	stream.indirect_vreg.gather [hbm4b:s0+s21], $0x80, v26, vm1, $0xb8;
	[tilespmem:$0x11200] =	vst v63  }
0xf3: {  	_ = 	snop  }
0xf4: {  	[tilespmem:s14], [sflag:$0x1] =	stream.indirect_vreg.gather [hbm4b:s0+s21], $0x80, v25, vm1, $0xb8;
	[tilespmem:$0x11200] =	vst v63  }
0xf5: {  	v25 =	vld [tilespmem:$0x10E0];
	_ =	sdelay $0x4  }
0xf6: {  	v26 =	vshll.u32 v25, $0x1  }
0xf7: {  	v25 =	vand.u32 $0x7, v25;
	v26 =	vand.u32 $0xFFFFFFF0, v26  }
0xf8: {  	v25 =	vor.u32 v25, v26  }
0xf9: {  	v26 =	vperm.xlane v25, v22;
	_ =	sdelay $0x1  }
0xfa: {  	v25 =	vperm.xlane v25, v24;
	v26 =	vadd.s32 v23, v26;
	_ =	sdelay $0x1  }
0xfb: {  	v25 =	vadd.s32 v23, v25;
	_ =	sdelay $0x2  }
0xfc: {  	[tilespmem:s15], [sflag:$0x1] =	stream.indirect_vreg.gather [hbm4b:s0+s21], $0x80, v26, vm1, $0xb8;
	[tilespmem:$0x11200] =	vst v63  }
0xfd: {  	_ = 	snop  }
0xfe: {  	[tilespmem:s16], [sflag:$0x1] =	stream.indirect_vreg.gather [hbm4b:s0+s21], $0x80, v25, vm1, $0xb8;
	[tilespmem:$0x11200] =	vst v63  }
0xff: {  	v25 =	vld [tilespmem:$0x10F0];
	_ =	sdelay $0x4  }
0x100: {  	v26 =	vshll.u32 v25, $0x1  }
0x101: {  	v25 =	vand.u32 $0x7, v25;
	v26 =	vand.u32 $0xFFFFFFF0, v26  }
0x102: {  	v25 =	vor.u32 v25, v26  }
0x103: {  	v26 =	vperm.xlane v25, v22;
	_ =	sdelay $0x1  }
0x104: {  	v25 =	vperm.xlane v25, v24;
	v26 =	vadd.s32 v23, v26;
	_ =	sdelay $0x1  }
0x105: {  	v25 =	vadd.s32 v23, v25;
	_ =	sdelay $0x2  }
0x106: {  	[tilespmem:s17], [sflag:$0x1] =	stream.indirect_vreg.gather [hbm4b:s0+s21], $0x80, v26, vm1, $0xb8;
	[tilespmem:$0x11200] =	vst v63  }
0x107: {  	_ = 	snop  }
0x108: {  	[tilespmem:s18], [sflag:$0x1] =	stream.indirect_vreg.gather [hbm4b:s0+s21], $0x80, v25, vm1, $0xb8;
	[tilespmem:$0x11200] =	vst v63  }
0x109: {  	_ =	swait.ge [sflag:s19], $0x8000  }
0x10a: {  	[sflag:s19] =	ssyncset.done $0x0  }
0x10b: {  	[sflag:s19] =	ssyncadd.s32 $0xFFFF8000  }
0x10c: {  	_ =	swait.ge [sflag:s19], $0x8000  }
0x10d: {  	s26 =	sand.u32 $0xF800, s21;
	s23 =	sand.u32 $0x380, s21;
	[sflag:s19] =	ssyncset.done $0x0  }
0x10e: {  	s22 =	sor.u32 s23, s26;
	[sflag:s19] =	ssyncadd.s32 $0xFFFF8000  }
0x10f: {  	v25 =	vmov s21;
	v27 =	vld [tilespmem:s22+$0x1230]  }
0x110: {  	v29 =	vld [tilespmem:s22+$0x1250]  }
0x111: {  	v28 =	vld [tilespmem:s22+$0x1640]  }
0x112: {  	v26 =	vld [tilespmem:s22+$0x1650]  }
0x113: {  	v30 =	vld [tilespmem:s22+$0x1670]  }
0x114: {  	v25 =	vld.idx.msk [tilespmem:v25+s9+$0x0], $0xffff  }
0x115: {  	v32 =	vld [tilespmem:s22+$0x1240]  }
0x116: {  	s23 =	simm.s32 $0x1;
	s24 =	simm.s32 $0x0;
	v31 =	vld [tilespmem:s22+$0x1260]  }
.LBB2_4:
0x117: {  	p0 =	sne.s32 s23, $0xFF;
	v33 =	vld [tilespmem:s22+$0x1600];
	s21 =	sadd.s32 $0x80, s21;
	s24 =	sadd.s32 $0x100, s24  }
0x118: {  	s25 =	smov.u32 s23;
	s23 =	sadd.s32 $0x1, s23;
	v34 =	vld [tilespmem:s22+$0x1220]  }
0x119: {  	v35 =	vld [tilespmem:s22+$0x1660]  }
0x11a: {  	v29 =	vmul.f32 v29, v25;
	v32 =	vmul.f32 v32, v25;
	v36 =	vld [tilespmem:s22+$0x1620]  }
0x11b: {  	v30 =	vmul.f32 v30, v25;
	v31 =	vmul.f32 v31, v25;
	v37 =	vld [tilespmem:s22+$0x1610]  }
0x11c: {  	v27 =	vmul.f32 v27, v25;
	v28 =	vmul.f32 v28, v25;
	[tilespmem:s22+$0x1240] =	vst v32;
	v32 =	vld [tilespmem:s22+$0x1630]  }
0x11d: {  	v38 =	vld [tilespmem:s22+$0x1210];
	[tilespmem:s22+$0x1260] =	vst v31  }
0x11e: {  	[tilespmem:s22+$0x1250] =	vst v29;
	v29 =	vld [tilespmem:s22+$0x1270]  }
0x11f: {  	v31 =	vld [tilespmem:s22+$0x1200];
	[tilespmem:s22+$0x1670] =	vst v30  }
0x120: {  	v26 =	vmul.f32 v26, v25;
	[tilespmem:s22+$0x1230] =	vst v27;
	v27 =	vmul.f32 v35, v25  }
0x121: {  	v30 =	vmul.f32 v34, v25;
	v32 =	vmul.f32 v32, v25;
	[tilespmem:s22+$0x1640] =	vst v28  }
0x122: {  	s26 =	sand.u32 $0x380, s21;
	v34 =	vmov s25;
	s25 =	sand.u32 $0xF800, s24;
	v28 =	vmul.f32 v33, v25;
	v33 =	vmul.f32 v36, v25;
	[tilespmem:s22+$0x1650] =	vst v26  }
0x123: {  	s25 =	sor.u32 s26, s25;
	v36 =	vmul.f32 v37, v25;
	v35 =	vmul.f32 v29, v25;
	[tilespmem:s22+$0x1660] =	vst v27  }
0x124: {  	v27 =	vld [tilespmem:s25+$0x1230];
	v31 =	vmul.f32 v31, v25;
	v25 =	vmul.f32 v38, v25;
	[tilespmem:s22+$0x1220] =	vst v30  }
0x125: {  	v29 =	vld [tilespmem:s25+$0x1250];
	[tilespmem:s22+$0x1600] =	vst v28  }
0x126: {  	v28 =	vld [tilespmem:s25+$0x1640];
	[tilespmem:s22+$0x1620] =	vst v33  }
0x127: {  	[tilespmem:s22+$0x1630] =	vst v32  }
0x128: {  	v26 =	vld [tilespmem:s25+$0x1650];
	[tilespmem:s22+$0x1610] =	vst v36  }
0x129: {  	[tilespmem:s22+$0x1270] =	vst v35  }
.Ltmp1:
0x12a: {  	[tilespmem:s22+$0x1210] =	vst v25;
	(pc) =	sbr.rel @p0 .LBB2_4-.Ltmp1, $4  }
0x12b: {  	v30 =	vld [tilespmem:s25+$0x1670];
	[tilespmem:s22+$0x1200] =	vst v31;
	s22 =	smov.u32 s25  }
0x12c: {  	v25 =	vld.idx.msk [tilespmem:v34+s9+$0x0], $0xffff  }
0x12d: {  	v32 =	vld [tilespmem:s22+$0x1240]  }
0x12e: {  	v31 =	vld [tilespmem:s22+$0x1260]  }
0x12f: {  	_ =	sdelay $0x1  }
0x130: {  	v29 =	vmul.f32 v29, v25  }
0x131: {  	v30 =	vmul.f32 v30, v25  }
0x132: {  	v35 =	vld [tilespmem:s22+$0x1660];
	v27 =	vmul.f32 v27, v25;
	[tilespmem:s22+$0x1250] =	vst v29  }
0x133: {  	v34 =	vld [tilespmem:s22+$0x1220];
	v28 =	vmul.f32 v28, v25;
	[tilespmem:s22+$0x1670] =	vst v30  }
0x134: {  	v33 =	vld [tilespmem:s22+$0x1600];
	v26 =	vmul.f32 v26, v25;
	[tilespmem:s22+$0x1230] =	vst v27  }
0x135: {  	v61 =	vld [tilespmem:s22+$0x1630];
	v32 =	vmul.f32 v32, v25;
	[tilespmem:s22+$0x1640] =	vst v28  }
0x136: {  	v59 =	vld [tilespmem:s22+$0x1210];
	v31 =	vmul.f32 v31, v25;
	[tilespmem:s22+$0x1650] =	vst v26  }
0x137: {  	v36 =	vld [tilespmem:s22+$0x1620];
	[tilespmem:s22+$0x1240] =	vst v32;
	v27 =	vmul.f32 v35, v25  }
0x138: {  	v58 =	vld [tilespmem:s22+$0x1610];
	v34 =	vmul.f32 v34, v25;
	[tilespmem:s22+$0x1260] =	vst v31  }
0x139: {  	v62 =	vld [tilespmem:s22+$0x1270];
	v26 =	vmul.f32 v33, v25;
	[tilespmem:s22+$0x1660] =	vst v27  }
0x13a: {  	v60 =	vld [tilespmem:s22+$0x1200];
	v30 =	vmul.f32 v61, v25;
	[tilespmem:s22+$0x1220] =	vst v34  }
0x13b: {  	v63 =	vmul.f32 v59, v25;
	[tilespmem:s22+$0x1600] =	vst v26  }
0x13c: {  	v27 =	vmul.f32 v36, v25;
	[tilespmem:s22+$0x1630] =	vst v30  }
0x13d: {  	v26 =	vmul.f32 v58, v25;
	[tilespmem:s22+$0x1210] =	vst v63  }
0x13e: {  	[tilespmem:s22+$0x1620] =	vst v27;
	v27 =	vmul.f32 v62, v25  }
0x13f: {  	s20 =	sadd.s32 $0x1, s20;
	[tilespmem:s22+$0x1610] =	vst v26;
	v25 =	vmul.f32 v60, v25  }
0x140: {  	p0 =	sne.s32 s20, s6;
	[tilespmem:s22+$0x1270] =	vst v27  }
.Ltmp2:
0x141: {  	[tilespmem:s22+$0x1200] =	vst v25;
	(pc) =	sbr.rel @p0 .LBB2_1-.Ltmp2, $4  }
0x142: {  	[hbm4b:s5+s3] =	stream.linear.scatter [tilespmem:s10], [sflag:$0x2], $0x10000, $0x38;
	[tilespmem:$0x11200] =	vst v63  }
0x143: {  	_ =	swait.ge [sflag:s7], $0x10000  }
0x144: {  	[sflag:s7] =	ssyncset.done $0x0  }
0x145: {  	[sflag:s7] =	ssyncadd.s32 $0xFFFF0000  }
0x146: {  	_ =	sfence.sel $0x180000  }
0x147: {  	[bflag:$0x0] =	sbarrier.arrive $0xFFFF  }
0x148: {  	_ =	strace $0x90000047  }
0x149: {  	s0 =	stileid.u32;
	[bflag:$0x2] =	sbarrier.arrive $0xFFFF  }
0x14a: {  	p0 =	sne.s32 s0, $0x0;
	s0 =	rddreg [dreg:$0x3]  }
0x14b: {  	s0 =	sadd.s32 @!p0 $0x100000, s0  }
0x14c: {  	[sflag:s0] =	ssyncadd.tile.s32 @!p0 $0x1;
	_ =	shalt  }
.Lfunc_end2:
_tile_overlayer_lowered:
.L_overlay_start_2:
0x14d: {  	(tag) =	ssettag $0x2  }
0x14e: {  	s0 =	rddreg [dreg:$0x0];
	s2 =	stileid.u32  }
0x14f: {  	s1 =	rddreg [dreg:$0x1];
	p0 =	sne.s32 s2, $0x0  }
0x150: {  	s3 =	rddreg [dreg:$0x2];
	[bflag:$0x3] =	sbarrier.arrive $0xFFFF;
	s2 =	simm.s32 @!p0 $0x1C02  }
0x151: {  	[timem:s3], [sflag:s2] =	dma.local @!p0 [hbm:s0], s1  }
0x152: {  	s0 =	simm.s32 @!p0 $0x2  }
0x153: {  	_ =	swait.ge @!p0 [sflag:s0], s1  }
0x154: {  	s1 =	ssub.s32 @!p0 $0x0, s1;
	[sflag:s0] =	ssyncset.done @!p0 $0x0  }
0x155: {  	[sflag:s0] =	ssyncadd.s32 @!p0 s1  }
0x156: {  	[bflag:$0x3] =	sbarrier.arrive $0xFFFF  }
0x157: {  	_ =	shalt  }

</sc_bundles>
